<compile_context>
chip_gen: v7x
topology: tpu7x:2x2x1
jax: 0.10.2.dev20260603
libtpu: 0.0.44.dev20260713+nightly
codegen_flags: <defaults>
</compile_context>

<pallas_src>
import functools

import jax
import jax.numpy as jnp
from jax import lax
from jax.experimental import pallas as pl
from jax.experimental.pallas import tpu as pltpu
from jax.experimental.pallas import tpu_sc as plsc

N = 10000
D = 128
NUM_THRESH = 5

NC = 2
NS = 16
NW = NC * NS

NP = 10240
ROWS_PER_TILE = NP // NS
PAD_DST = 10016
CHUNK = 128

BLK = 512
GRID = NP // BLK


def _sc_deg_body(cpw, dst_hbm, ones_hbm, zeros_hbm, out_hbm,
                 dst_v, ones_v, stage_v, deg_sh):
    c = lax.axis_index("c")
    s = lax.axis_index("s")
    wid = s * NC + c
    base = s * ROWS_PER_TILE

    pltpu.sync_copy(zeros_hbm, stage_v)
    pltpu.sync_copy(stage_v, deg_sh.at[pl.ds(base, ROWS_PER_TILE)])
    pltpu.sync_copy(ones_hbm, ones_v)
    pltpu.sync_copy(dst_hbm.at[pl.ds(wid * cpw, cpw)], dst_v)
    plsc.subcore_barrier()

    def body(j, carry):
        pltpu.sync_copy(ones_v, deg_sh.at[dst_v.at[j]], add=True)
        return carry

    lax.fori_loop(0, cpw, body, 0)
    plsc.subcore_barrier()

    pltpu.sync_copy(deg_sh.at[pl.ds(base, ROWS_PER_TILE)], stage_v)
    pltpu.sync_copy(stage_v, out_hbm.at[pl.ds(c * NP + base, ROWS_PER_TILE)])


def _sc_deg(dst2d, ones1d, zeros1d, cpw):
    return pl.kernel(
        functools.partial(_sc_deg_body, cpw),
        out_type=jax.ShapeDtypeStruct((NC * NP,), jnp.float32),
        mesh=plsc.VectorSubcoreMesh(core_axis_name="c", subcore_axis_name="s"),
        scratch_types=[
            pltpu.VMEM((cpw, CHUNK), jnp.int32),
            pltpu.VMEM((CHUNK,), jnp.float32),
            pltpu.VMEM((ROWS_PER_TILE,), jnp.float32),
            pltpu.VMEM_SHARED((NP,), jnp.float32),
        ],
    )(dst2d, ones1d, zeros1d)


SPC = 8


def _sc_scatter_body(cpw_a, cpw_b, y_hbm, src_hbm, dst_hbm, zeros_hbm, out_hbm,
                     src_v, dst_v, rows_a, rows_b, acc_sh, sem_a, sem_b):
    c = lax.axis_index("c")
    s = lax.axis_index("s")
    base = s * ROWS_PER_TILE

    pltpu.sync_copy(zeros_hbm, rows_a)

    def zbody(t, carry):
        pltpu.sync_copy(rows_a, acc_sh.at[pl.ds(base + t * CHUNK, CHUNK)])
        return carry

    lax.fori_loop(0, ROWS_PER_TILE // CHUNK, zbody, 0)

    plsc.subcore_barrier()

    cpw_c = jnp.where(c == 0, cpw_a, cpw_b)
    base_row = c * NS * cpw_a + s * cpw_c
    nst = cpw_c // SPC
    niter = SPC // 2

    def stage(h, carry):
        row0 = base_row + h * SPC
        pltpu.sync_copy(src_hbm.at[pl.ds(row0, SPC)], src_v)
        pltpu.sync_copy(dst_hbm.at[pl.ds(row0, SPC)], dst_v)
        pltpu.async_copy(y_hbm.at[src_v.at[0]], rows_a, sem_a)

        def body(jj, carry2):
            j0 = 2 * jj
            pltpu.async_copy(y_hbm.at[src_v.at[j0 + 1]], rows_b, sem_b)
            pltpu.make_async_copy(y_hbm.at[pl.ds(0, CHUNK)], rows_a, sem_a).wait()
            pltpu.sync_copy(rows_a, acc_sh.at[dst_v.at[j0]], add=True)

            @pl.when(jj + 1 < niter)
            def _():
                pltpu.async_copy(y_hbm.at[src_v.at[j0 + 2]], rows_a, sem_a)

            pltpu.make_async_copy(y_hbm.at[pl.ds(0, CHUNK)], rows_b, sem_b).wait()
            pltpu.sync_copy(rows_b, acc_sh.at[dst_v.at[j0 + 1]], add=True)
            return carry2

        lax.fori_loop(0, niter, body, 0)
        return carry

    lax.fori_loop(0, nst, stage, 0)
    plsc.subcore_barrier()

    def ebody(t, carry):
        pltpu.sync_copy(acc_sh.at[pl.ds(base + t * CHUNK, CHUNK)], rows_a)
        pltpu.sync_copy(rows_a, out_hbm.at[pl.ds(c * NP + base + t * CHUNK, CHUNK)])
        return carry

    lax.fori_loop(0, ROWS_PER_TILE // CHUNK, ebody, 0)


def _sc_scatter(y, src2d, dst2d, zeros2d, cpw_a, cpw_b):
    assert cpw_a % SPC == 0 and cpw_b % SPC == 0
    return pl.kernel(
        functools.partial(_sc_scatter_body, cpw_a, cpw_b),
        out_type=jax.ShapeDtypeStruct((NC * NP, D), jnp.float32),
        mesh=plsc.VectorSubcoreMesh(core_axis_name="c", subcore_axis_name="s"),
        scratch_types=[
            pltpu.VMEM((SPC, CHUNK), jnp.int32),
            pltpu.VMEM((SPC, CHUNK), jnp.int32),
            pltpu.VMEM((CHUNK, D), jnp.float32),
            pltpu.VMEM((CHUNK, D), jnp.float32),
            pltpu.VMEM_SHARED((NP, D), jnp.float32),
            pltpu.SemaphoreType.DMA,
            pltpu.SemaphoreType.DMA,
        ],
    )(y, src2d, dst2d, zeros2d)


def _tc_dinv_body(degp_ref, o_ref):
    deg = degp_ref[0] + degp_ref[1] + 1.0
    o_ref[...] = jnp.where(deg > 0, lax.rsqrt(deg), 0.0)


def _tc_dinv(degp):
    return pl.pallas_call(
        _tc_dinv_body,
        out_shape=jax.ShapeDtypeStruct((NP // D, D), jnp.float32),
    )(degp)


def _tc_mm_body(x_ref, w_ref, dinv_ref, o_ref):
    xw = jnp.dot(x_ref[...], w_ref[...], preferred_element_type=jnp.float32)
    o_ref[...] = dinv_ref[...] * xw


def _tc_mm(xp, W, dinv_col):
    return pl.pallas_call(
        _tc_mm_body,
        grid=(GRID,),
        in_specs=[
            pl.BlockSpec((BLK, D), lambda i: (i, 0)),
            pl.BlockSpec((D, D), lambda i: (0, 0)),
            pl.BlockSpec((BLK, 1), lambda i: (i, 0)),
        ],
        out_specs=pl.BlockSpec((BLK, D), lambda i: (i, 0)),
        out_shape=jax.ShapeDtypeStruct((NP, D), jnp.float32),
    )(xp, W, dinv_col)


def _tc_combine_mm_body(p_ref, y_ref, dinv_ref, b_ref, w_ref, o_ref):
    h = dinv_ref[...] * (p_ref[0] + p_ref[1] + y_ref[...]) + b_ref[...]
    h = jnp.maximum(h, 0.0)
    o_ref[...] = dinv_ref[...] * jnp.dot(h, w_ref[...],
                                         preferred_element_type=jnp.float32)


def _tc_combine_mm(p, y, dinv_col, b_row, W):
    return pl.pallas_call(
        _tc_combine_mm_body,
        grid=(GRID,),
        in_specs=[
            pl.BlockSpec((NC, BLK, D), lambda i: (0, i, 0)),
            pl.BlockSpec((BLK, D), lambda i: (i, 0)),
            pl.BlockSpec((BLK, 1), lambda i: (i, 0)),
            pl.BlockSpec((1, D), lambda i: (0, 0)),
            pl.BlockSpec((D, D), lambda i: (0, 0)),
        ],
        out_specs=pl.BlockSpec((BLK, D), lambda i: (i, 0)),
        out_shape=jax.ShapeDtypeStruct((NP, D), jnp.float32),
    )(p, y, dinv_col, b_row, W)


def _tc_final_body(p_ref, y_ref, dinv_ref, b_ref, fcw_ref, tb_ref, o_ref):
    h = dinv_ref[...] * (p_ref[0] + p_ref[1] + y_ref[...]) + b_ref[...]
    h = jnp.maximum(h, 0.0)
    sl = jnp.dot(h, fcw_ref[...], preferred_element_type=jnp.float32)
    o_ref[...] = sl + tb_ref[...]


def _tc_final(p, y, dinv_col, b_row, fc_w, tb_row):
    return pl.pallas_call(
        _tc_final_body,
        grid=(GRID,),
        in_specs=[
            pl.BlockSpec((NC, BLK, D), lambda i: (0, i, 0)),
            pl.BlockSpec((BLK, D), lambda i: (i, 0)),
            pl.BlockSpec((BLK, 1), lambda i: (i, 0)),
            pl.BlockSpec((1, D), lambda i: (0, 0)),
            pl.BlockSpec((D, 1), lambda i: (0, 0)),
            pl.BlockSpec((1, 8), lambda i: (0, 0)),
        ],
        out_specs=pl.BlockSpec((BLK, 8), lambda i: (i, 0)),
        out_shape=jax.ShapeDtypeStruct((NP, 8), jnp.float32),
    )(p, y, dinv_col, b_row, fc_w, tb_row)


def kernel(x, edge_index, W1, b1, W2, b2, fc_w, tb):
    E = edge_index.shape[1]
    pair_total = -(-E // (NS * CHUNK))
    pair_total = -(-pair_total // (2 * SPC)) * (2 * SPC)
    cpw_a = pair_total - SPC
    cpw_b = pair_total - cpw_a
    cpw = pair_total // 2
    e_pad = NS * pair_total * CHUNK - E

    src = edge_index[0]
    dst = edge_index[1]
    src2d = jnp.concatenate(
        [src, jnp.zeros((e_pad,), jnp.int32)]).reshape(NW * cpw, CHUNK)
    dst2d = jnp.concatenate(
        [dst, jnp.full((e_pad,), PAD_DST, jnp.int32)]).reshape(NW * cpw, CHUNK)

    ones1d = jnp.ones((CHUNK,), jnp.float32)
    zeros1d = jnp.zeros((ROWS_PER_TILE,), jnp.float32)
    zeros2d = jnp.zeros((CHUNK, D), jnp.float32)

    xp = jnp.concatenate([x, jnp.zeros((NP - N, D), jnp.float32)])

    degp = _sc_deg(dst2d, ones1d, zeros1d, cpw)
    dinv2d = _tc_dinv(degp.reshape(NC, NP // D, D))
    dinv_col = dinv2d.reshape(NP, 1)

    b1_row = b1.reshape(1, D)
    b2_row = b2.reshape(1, D)
    tb_row = jnp.concatenate(
        [tb, jnp.zeros((8 - NUM_THRESH,), jnp.float32)]).reshape(1, 8)

    y1 = _tc_mm(xp, W1, dinv_col)
    p1 = _sc_scatter(y1, src2d, dst2d, zeros2d, cpw_a, cpw_b)
    y2 = _tc_combine_mm(p1.reshape(NC, NP, D), y1, dinv_col, b1_row, W2)
    p2 = _sc_scatter(y2, src2d, dst2d, zeros2d, cpw_a, cpw_b)
    logits = _tc_final(p2.reshape(NC, NP, D), y2, dinv_col, b2_row,
                       fc_w, tb_row)
    return logits[:N, :NUM_THRESH]

# --- scband reference (transcript-rebuilt; emitter-appended) ---
"""Pipeline reference for scband-coralclassifier-15522011808336 (READ-ONLY COPY).

The authoritative reference and input builder live on the scoring server;
editing this copy changes nothing except your own understanding.
"""

import jax, jax.numpy as jnp
import numpy as np

N = 10000
E = 320000
D_IN = 128
D_HID = 128
NUM_CLASSES = 6
NUM_THRESH = NUM_CLASSES - 1


def setup_inputs(seed: int = 0):
    key = jax.random.key(seed)
    ks = jax.random.split(key, 8)
    x = jax.random.normal(ks[0], (N, D_IN), dtype=jnp.float32)
    edge_index = jax.random.randint(ks[1], (2, E), 0, N, dtype=jnp.int32)
    W1 = jax.random.normal(ks[2], (D_IN, D_HID), dtype=jnp.float32) * 0.05
    b1 = jnp.zeros((D_HID,), dtype=jnp.float32)
    W2 = jax.random.normal(ks[3], (D_HID, D_HID), dtype=jnp.float32) * 0.05
    b2 = jnp.zeros((D_HID,), dtype=jnp.float32)
    fc_w = jax.random.normal(ks[4], (D_HID, 1), dtype=jnp.float32) * 0.05
    tb = jnp.zeros((NUM_THRESH,), dtype=jnp.float32)
    return {"x": x, "edge_index": edge_index, "W1": W1, "b1": b1, "W2": W2, "b2": b2, "fc_w": fc_w, "tb": tb}


def gcn_conv(x, edge_index, W, b):
    # PyG-style GCNConv: add self-loops, symmetric normalization, scatter-add aggregation
    src = edge_index[0]
    dst = edge_index[1]
    loop = jnp.arange(N, dtype=src.dtype)
    src = jnp.concatenate([src, loop])
    dst = jnp.concatenate([dst, loop])
    xw = x @ W
    deg = jnp.zeros((N,), dtype=xw.dtype).at[dst].add(1.0)
    dinv = jnp.where(deg > 0, jax.lax.rsqrt(deg), 0.0)
    norm = dinv[src] * dinv[dst]
    msg = jnp.take(xw, src, axis=0) * norm[:, None]
    out = jnp.zeros((N, xw.shape[1]), dtype=xw.dtype).at[dst].add(msg)
    return out + b


def reference(x, edge_index, W1, b1, W2, b2, fc_w, tb):
    h = gcn_conv(x, edge_index, W1, b1)
    h = jax.nn.relu(h)
    # dropout is identity in eval mode
    h = gcn_conv(h, edge_index, W2, b2)
    h = jax.nn.relu(h)
    shared_logit = h @ fc_w  # [N, 1]
    logits = shared_logit + tb  # broadcast -> [N, NUM_THRESH]
    return logits

if __name__ == "__main__":
    import jax
    _d = setup_inputs()
    print(jax.jit(kernel)(*tuple(_d.values())))

</pallas_src>

<mosaic_0001>
#map = affine_map<(d0, d1) -> (0, 0)>
#map1 = affine_map<(d0, d1) -> (0)>
module attributes {stable_mosaic.version = 14 : i64} {
  func.func @_sc_deg_body(%arg0: i32, %arg1: i32, %arg2: memref<2560x128xi32, #tpu.memory_space<hbm>>, %arg3: memref<128xf32, #tpu.memory_space<hbm>>, %arg4: memref<640xf32, #tpu.memory_space<hbm>>, %arg5: memref<20480xf32, #tpu.memory_space<hbm>>, %arg6: memref<80x128xi32, #tpu.memory_space<vmem>>, %arg7: memref<128xf32, #tpu.memory_space<vmem>>, %arg8: memref<640xf32, #tpu.memory_space<vmem>>, %arg9: memref<10240xf32, #tpu.memory_space<vmem_shared>>) attributes {dimension_semantics = [#tpu.dimension_semantics<core_parallel>, #tpu.dimension_semantics<subcore_parallel>], iteration_bounds = array<i64: 2, 16>, scalar_prefetch = 0 : i64, scratch_operands = 4 : i64, tpu.core_type = #tpu.core_type<sc_vector_subcore>, window_params = [{transform_indices = #map}, {transform_indices = #map1}, {transform_indices = #map1}, {transform_indices = #map1}]} {
    %mul3A = arith.constant 2 : i32
    %mul3A_0 = arith.muli %arg1, %mul3A : i32
    %add3A = arith.addi %mul3A_0, %arg0 : i32
    %mul3A_1 = arith.constant 640 : i32
    %mul3A_2 = arith.muli %arg1, %mul3A_1 : i32
    "tpu.region"() ({
      %run_scoped3A = tpu.sem_alloc : memref<!tpu.dma_semaphore, #tpu.memory_space<semaphore_mem>>
      tpu.enqueue_dma source(%arg4 : memref<640xf32, #tpu.memory_space<hbm>>) target(%arg8 : memref<640xf32, #tpu.memory_space<vmem>>) target_semaphore(%run_scoped3A : memref<!tpu.dma_semaphore, #tpu.memory_space<semaphore_mem>>)
      tpu.wait_dma2 semaphore(%run_scoped3A : memref<!tpu.dma_semaphore, #tpu.memory_space<semaphore_mem>>) src(%arg4 : memref<640xf32, #tpu.memory_space<hbm>>) dst(%arg8 : memref<640xf32, #tpu.memory_space<vmem>>)
      tpu.yield
    }) : () -> ()
    "tpu.region"() ({
      %run_scoped3A = tpu.sem_alloc : memref<!tpu.dma_semaphore, #tpu.memory_space<semaphore_mem>>
      %dma_start3A = tpu.memref_slice %arg9[%mul3A_2] : memref<10240xf32, #tpu.memory_space<vmem_shared>> -> memref<640xf32, #tpu.memory_space<vmem_shared>>
      %dma_start3A_14 = tpu.memref_slice %arg9[%mul3A_2] : memref<10240xf32, #tpu.memory_space<vmem_shared>> -> memref<640xf32, #tpu.memory_space<vmem_shared>>
      tpu.enqueue_dma source(%arg8 : memref<640xf32, #tpu.memory_space<vmem>>) target(%dma_start3A_14 : memref<640xf32, #tpu.memory_space<vmem_shared>>) target_semaphore(%run_scoped3A : memref<!tpu.dma_semaphore, #tpu.memory_space<semaphore_mem>>)
      %dma_wait3A = tpu.memref_slice %arg9[%mul3A_2] : memref<10240xf32, #tpu.memory_space<vmem_shared>> -> memref<640xf32, #tpu.memory_space<vmem_shared>>
      %dma_wait3A_15 = tpu.memref_slice %arg9[%mul3A_2] : memref<10240xf32, #tpu.memory_space<vmem_shared>> -> memref<640xf32, #tpu.memory_space<vmem_shared>>
      tpu.wait_dma2 semaphore(%run_scoped3A : memref<!tpu.dma_semaphore, #tpu.memory_space<semaphore_mem>>) src(%arg8 : memref<640xf32, #tpu.memory_space<vmem>>) dst(%dma_wait3A_15 : memref<640xf32, #tpu.memory_space<vmem_shared>>)
      tpu.yield
    }) : () -> ()
    "tpu.region"() ({
      %run_scoped3A = tpu.sem_alloc : memref<!tpu.dma_semaphore, #tpu.memory_space<semaphore_mem>>
      tpu.enqueue_dma source(%arg3 : memref<128xf32, #tpu.memory_space<hbm>>) target(%arg7 : memref<128xf32, #tpu.memory_space<vmem>>) target_semaphore(%run_scoped3A : memref<!tpu.dma_semaphore, #tpu.memory_space<semaphore_mem>>)
      tpu.wait_dma2 semaphore(%run_scoped3A : memref<!tpu.dma_semaphore, #tpu.memory_space<semaphore_mem>>) src(%arg3 : memref<128xf32, #tpu.memory_space<hbm>>) dst(%arg7 : memref<128xf32, #tpu.memory_space<vmem>>)
      tpu.yield
    }) : () -> ()
    %mul3A_3 = arith.constant 80 : i32
    %mul3A_4 = arith.muli %add3A, %mul3A_3 : i32
    "tpu.region"() ({
      %run_scoped3A = tpu.sem_alloc : memref<!tpu.dma_semaphore, #tpu.memory_space<semaphore_mem>>
      %dma_start3A = arith.constant 0 : i32
      %dma_start3A_14 = tpu.memref_slice %arg2[%mul3A_4, %dma_start3A] : memref<2560x128xi32, #tpu.memory_space<hbm>> -> memref<80x128xi32, #tpu.memory_space<hbm>>
      %dma_start3A_15 = arith.constant 0 : i32
      %dma_start3A_16 = tpu.memref_slice %arg2[%mul3A_4, %dma_start3A_15] : memref<2560x128xi32, #tpu.memory_space<hbm>> -> memref<80x128xi32, #tpu.memory_space<hbm>>
      tpu.enqueue_dma source(%dma_start3A_16 : memref<80x128xi32, #tpu.memory_space<hbm>>) target(%arg6 : memref<80x128xi32, #tpu.memory_space<vmem>>) target_semaphore(%run_scoped3A : memref<!tpu.dma_semaphore, #tpu.memory_space<semaphore_mem>>)
      %dma_wait3A = arith.constant 0 : i32
      %dma_wait3A_17 = tpu.memref_slice %arg2[%mul3A_4, %dma_wait3A] : memref<2560x128xi32, #tpu.memory_space<hbm>> -> memref<80x128xi32, #tpu.memory_space<hbm>>
      %dma_wait3A_18 = arith.constant 0 : i32
      %dma_wait3A_19 = tpu.memref_slice %arg2[%mul3A_4, %dma_wait3A_18] : memref<2560x128xi32, #tpu.memory_space<hbm>> -> memref<80x128xi32, #tpu.memory_space<hbm>>
      tpu.wait_dma2 semaphore(%run_scoped3A : memref<!tpu.dma_semaphore, #tpu.memory_space<semaphore_mem>>) src(%dma_wait3A_19 : memref<80x128xi32, #tpu.memory_space<hbm>>) dst(%arg6 : memref<80x128xi32, #tpu.memory_space<vmem>>)
      tpu.yield
    }) : () -> ()
    %barrier3A = arith.constant 0 : index
    tpu.barrier barrier_id(%barrier3A)
    %scan3A = arith.constant 0 : i32
    %scan3A_5 = arith.constant 0 : i32
    %scan3A_6 = arith.constant 80 : i32
    %scan3A_7 = arith.addi %scan3A_5, %scan3A_6 : i32
    %scan3A_8 = arith.constant 1 : i32
    scf.for %scan3A_14 = %scan3A_5 to %scan3A_7 step %scan3A_8  : i32 {
      "tpu.region"() ({
        %run_scoped3A = tpu.sem_alloc : memref<!tpu.dma_semaphore, #tpu.memory_space<semaphore_mem>>
        %dma_start3A = arith.constant 0 : i32
        %dma_start3A_15 = tpu.memref_slice %arg6[%scan3A_14, %dma_start3A] : memref<80x128xi32, #tpu.memory_space<vmem>> -> memref<1x128xi32, #tpu.memory_space<vmem>>
        %dma_start3A_16 = tpu.memref_squeeze %dma_start3A_15 : memref<1x128xi32, #tpu.memory_space<vmem>> -> memref<128xi32, #tpu.memory_space<vmem>>
        %dma_start3A_17 = arith.constant 0 : i32
        %dma_start3A_18 = tpu.memref_slice %arg9[%dma_start3A_17] : memref<10240xf32, #tpu.memory_space<vmem_shared>> -> memref<10240xf32, #tpu.memory_space<vmem_shared>>
        tpu.enqueue_indirect_dma source(%arg7 : memref<128xf32, #tpu.memory_space<vmem>>) target(%dma_start3A_18 : memref<10240xf32, #tpu.memory_space<vmem_shared>>) offsets(%dma_start3A_16 : memref<128xi32, #tpu.memory_space<vmem>>) semaphore(%run_scoped3A : memref<!tpu.dma_semaphore, #tpu.memory_space<semaphore_mem>>) {add = true}
        %dma_wait3A = arith.constant 0 : i32
        %dma_wait3A_19 = tpu.memref_slice %arg6[%scan3A_14, %dma_wait3A] : memref<80x128xi32, #tpu.memory_space<vmem>> -> memref<1x128xi32, #tpu.memory_space<vmem>>
        %dma_wait3A_20 = tpu.memref_squeeze %dma_wait3A_19 : memref<1x128xi32, #tpu.memory_space<vmem>> -> memref<128xi32, #tpu.memory_space<vmem>>
        %dma_wait3A_21 = arith.constant 0 : i32
        %dma_wait3A_22 = tpu.memref_slice %arg9[%dma_wait3A_21] : memref<10240xf32, #tpu.memory_space<vmem_shared>> -> memref<10240xf32, #tpu.memory_space<vmem_shared>>
        tpu.wait_indirect_dma semaphore(%run_scoped3A : memref<!tpu.dma_semaphore, #tpu.memory_space<semaphore_mem>>) src(%arg7 : memref<128xf32, #tpu.memory_space<vmem>>) dst(%dma_wait3A_22 : memref<10240xf32, #tpu.memory_space<vmem_shared>>)
        tpu.yield
      }) : () -> ()
    }
    %scan3A_9 = arith.constant 80 : i32
    %barrier3A_10 = arith.constant 0 : index
    tpu.barrier barrier_id(%barrier3A_10)
    "tpu.region"() ({
      %run_scoped3A = tpu.sem_alloc : memref<!tpu.dma_semaphore, #tpu.memory_space<semaphore_mem>>
      %dma_start3A = tpu.memref_slice %arg9[%mul3A_2] : memref<10240xf32, #tpu.memory_space<vmem_shared>> -> memref<640xf32, #tpu.memory_space<vmem_shared>>
      %dma_start3A_14 = tpu.memref_slice %arg9[%mul3A_2] : memref<10240xf32, #tpu.memory_space<vmem_shared>> -> memref<640xf32, #tpu.memory_space<vmem_shared>>
      tpu.enqueue_dma source(%dma_start3A_14 : memref<640xf32, #tpu.memory_space<vmem_shared>>) target(%arg8 : memref<640xf32, #tpu.memory_space<vmem>>) target_semaphore(%run_scoped3A : memref<!tpu.dma_semaphore, #tpu.memory_space<semaphore_mem>>)
      %dma_wait3A = tpu.memref_slice %arg9[%mul3A_2] : memref<10240xf32, #tpu.memory_space<vmem_shared>> -> memref<640xf32, #tpu.memory_space<vmem_shared>>
      %dma_wait3A_15 = tpu.memref_slice %arg9[%mul3A_2] : memref<10240xf32, #tpu.memory_space<vmem_shared>> -> memref<640xf32, #tpu.memory_space<vmem_shared>>
      tpu.wait_dma2 semaphore(%run_scoped3A : memref<!tpu.dma_semaphore, #tpu.memory_space<semaphore_mem>>) src(%dma_wait3A_15 : memref<640xf32, #tpu.memory_space<vmem_shared>>) dst(%arg8 : memref<640xf32, #tpu.memory_space<vmem>>)
      tpu.yield
    }) : () -> ()
    %mul3A_11 = arith.constant 10240 : i32
    %mul3A_12 = arith.muli %arg0, %mul3A_11 : i32
    %add3A_13 = arith.addi %mul3A_12, %mul3A_2 : i32
    "tpu.region"() ({
      %run_scoped3A = tpu.sem_alloc : memref<!tpu.dma_semaphore, #tpu.memory_space<semaphore_mem>>
      %dma_start3A = tpu.memref_slice %arg5[%add3A_13] : memref<20480xf32, #tpu.memory_space<hbm>> -> memref<640xf32, #tpu.memory_space<hbm>>
      %dma_start3A_14 = tpu.memref_slice %arg5[%add3A_13] : memref<20480xf32, #tpu.memory_space<hbm>> -> memref<640xf32, #tpu.memory_space<hbm>>
      tpu.enqueue_dma source(%arg8 : memref<640xf32, #tpu.memory_space<vmem>>) target(%dma_start3A_14 : memref<640xf32, #tpu.memory_space<hbm>>) target_semaphore(%run_scoped3A : memref<!tpu.dma_semaphore, #tpu.memory_space<semaphore_mem>>)
      %dma_wait3A = tpu.memref_slice %arg5[%add3A_13] : memref<20480xf32, #tpu.memory_space<hbm>> -> memref<640xf32, #tpu.memory_space<hbm>>
      %dma_wait3A_15 = tpu.memref_slice %arg5[%add3A_13] : memref<20480xf32, #tpu.memory_space<hbm>> -> memref<640xf32, #tpu.memory_space<hbm>>
      tpu.wait_dma2 semaphore(%run_scoped3A : memref<!tpu.dma_semaphore, #tpu.memory_space<semaphore_mem>>) src(%arg8 : memref<640xf32, #tpu.memory_space<vmem>>) dst(%dma_wait3A_15 : memref<640xf32, #tpu.memory_space<hbm>>)
      tpu.yield
    }) : () -> ()
    return
  }
}

#map = affine_map<(d0, d1) -> (0, 0)>
module attributes {stable_mosaic.version = 14 : i64} {
  func.func @_sc_scatter_body(%arg0: i32, %arg1: i32, %arg2: memref<10240x128xf32, #tpu.memory_space<hbm>>, %arg3: memref<2560x128xi32, #tpu.memory_space<hbm>>, %arg4: memref<2560x128xi32, #tpu.memory_space<hbm>>, %arg5: memref<128x128xf32, #tpu.memory_space<hbm>>, %arg6: memref<20480x128xf32, #tpu.memory_space<hbm>>, %arg7: memref<8x128xi32, #tpu.memory_space<vmem>>, %arg8: memref<8x128xi32, #tpu.memory_space<vmem>>, %arg9: memref<128x128xf32, #tpu.memory_space<vmem>>, %arg10: memref<128x128xf32, #tpu.memory_space<vmem>>, %arg11: memref<10240x128xf32, #tpu.memory_space<vmem_shared>>, %arg12: memref<!tpu.dma_semaphore, #tpu.memory_space<semaphore_mem>>, %arg13: memref<!tpu.dma_semaphore, #tpu.memory_space<semaphore_mem>>) attributes {dimension_semantics = [#tpu.dimension_semantics<core_parallel>, #tpu.dimension_semantics<subcore_parallel>], iteration_bounds = array<i64: 2, 16>, scalar_prefetch = 0 : i64, scratch_operands = 7 : i64, tpu.core_type = #tpu.core_type<sc_vector_subcore>, window_params = [{transform_indices = #map}, {transform_indices = #map}, {transform_indices = #map}, {transform_indices = #map}, {transform_indices = #map}]} {
    %mul3A = arith.constant 640 : i32
    %mul3A_0 = arith.muli %arg1, %mul3A : i32
    "tpu.region"() ({
      %run_scoped3A = tpu.sem_alloc : memref<!tpu.dma_semaphore, #tpu.memory_space<semaphore_mem>>
      tpu.enqueue_dma source(%arg5 : memref<128x128xf32, #tpu.memory_space<hbm>>) target(%arg9 : memref<128x128xf32, #tpu.memory_space<vmem>>) target_semaphore(%run_scoped3A : memref<!tpu.dma_semaphore, #tpu.memory_space<semaphore_mem>>)
      tpu.wait_dma2 semaphore(%run_scoped3A : memref<!tpu.dma_semaphore, #tpu.memory_space<semaphore_mem>>) src(%arg5 : memref<128x128xf32, #tpu.memory_space<hbm>>) dst(%arg9 : memref<128x128xf32, #tpu.memory_space<vmem>>)
      tpu.yield
    }) : () -> ()
    %scan3A = arith.constant 0 : i32
    %scan3A_1 = arith.constant 0 : i32
    %scan3A_2 = arith.constant 5 : i32
    %scan3A_3 = arith.addi %scan3A_1, %scan3A_2 : i32
    %scan3A_4 = arith.constant 1 : i32
    scf.for %scan3A_47 = %scan3A_1 to %scan3A_3 step %scan3A_4  : i32 {
      %mul3A_48 = arith.constant 128 : i32
      %mul3A_49 = arith.muli %scan3A_47, %mul3A_48 : i32
      %add3A_50 = arith.addi %mul3A_0, %mul3A_49 : i32
      "tpu.region"() ({
        %run_scoped3A = tpu.sem_alloc : memref<!tpu.dma_semaphore, #tpu.memory_space<semaphore_mem>>
        %dma_start3A = arith.constant 0 : i32
        %dma_start3A_51 = tpu.memref_slice %arg11[%add3A_50, %dma_start3A] : memref<10240x128xf32, #tpu.memory_space<vmem_shared>> -> memref<128x128xf32, #tpu.memory_space<vmem_shared>>
        %dma_start3A_52 = arith.constant 0 : i32
        %dma_start3A_53 = tpu.memref_slice %arg11[%add3A_50, %dma_start3A_52] : memref<10240x128xf32, #tpu.memory_space<vmem_shared>> -> memref<128x128xf32, #tpu.memory_space<vmem_shared>>
        tpu.enqueue_dma source(%arg9 : memref<128x128xf32, #tpu.memory_space<vmem>>) target(%dma_start3A_53 : memref<128x128xf32, #tpu.memory_space<vmem_shared>>) target_semaphore(%run_scoped3A : memref<!tpu.dma_semaphore, #tpu.memory_space<semaphore_mem>>)
        %dma_wait3A = arith.constant 0 : i32
        %dma_wait3A_54 = tpu.memref_slice %arg11[%add3A_50, %dma_wait3A] : memref<10240x128xf32, #tpu.memory_space<vmem_shared>> -> memref<128x128xf32, #tpu.memory_space<vmem_shared>>
        %dma_wait3A_55 = arith.constant 0 : i32
        %dma_wait3A_56 = tpu.memref_slice %arg11[%add3A_50, %dma_wait3A_55] : memref<10240x128xf32, #tpu.memory_space<vmem_shared>> -> memref<128x128xf32, #tpu.memory_space<vmem_shared>>
        tpu.wait_dma2 semaphore(%run_scoped3A : memref<!tpu.dma_semaphore, #tpu.memory_space<semaphore_mem>>) src(%arg9 : memref<128x128xf32, #tpu.memory_space<vmem>>) dst(%dma_wait3A_56 : memref<128x128xf32, #tpu.memory_space<vmem_shared>>)
        tpu.yield
      }) : () -> ()
    }
    %scan3A_5 = arith.constant 5 : i32
    %barrier3A = arith.constant 0 : index
    tpu.barrier barrier_id(%barrier3A)
    %eq3A = arith.constant 0 : i32
    %eq3A_6 = arith.cmpi eq, %arg0, %eq3A : i32
    %jit3A = arith.constant 152 : i32
    %jit3A_7 = arith.constant 8 : i32
    %select_n3A = arith.select %eq3A_6, %jit3A, %jit3A_7 : i32
    %mul3A_8 = arith.constant 16 : i32
    %mul3A_9 = arith.muli %arg0, %mul3A_8 : i32
    %mul3A_10 = arith.constant 152 : i32
    %mul3A_11 = arith.muli %mul3A_9, %mul3A_10 : i32
    %mul3A_12 = arith.muli %arg1, %select_n3A : i32
    %add3A = arith.addi %mul3A_11, %mul3A_12 : i32
    %jit3A_13 = arith.constant 8 : i32
    %div3A = arith.divsi %select_n3A, %jit3A_13 : i32
    %sign3A = arith.constant 0 : i32
    %sign3A_14 = arith.cmpi sgt, %select_n3A, %sign3A : i32
    %sign3A_15 = arith.extui %sign3A_14 : i1 to i32
    %sign3A_16 = arith.constant 0 : i32
    %sign3A_17 = arith.cmpi slt, %select_n3A, %sign3A_16 : i32
    %sign3A_18 = arith.extui %sign3A_17 : i1 to i32
    %sign3A_19 = arith.subi %sign3A_15, %sign3A_18 : i32
    %sign3A_20 = arith.constant 0 : i32
    %sign3A_21 = arith.cmpi sgt, %jit3A_13, %sign3A_20 : i32
    %sign3A_22 = arith.extui %sign3A_21 : i1 to i32
    %sign3A_23 = arith.constant 0 : i32
    %sign3A_24 = arith.cmpi slt, %jit3A_13, %sign3A_23 : i32
    %sign3A_25 = arith.extui %sign3A_24 : i1 to i32
    %sign3A_26 = arith.subi %sign3A_22, %sign3A_25 : i32
    %ne3A = arith.cmpi ne, %sign3A_19, %sign3A_26 : i32
    %rem3A = arith.remsi %select_n3A, %jit3A_13 : i32
    %ne3A_27 = arith.constant 0 : i32
    %ne3A_28 = arith.cmpi ne, %rem3A, %ne3A_27 : i32
    %and3A = arith.andi %ne3A, %ne3A_28 : i1
    %sub3A = arith.constant 1 : i32
    %sub3A_29 = arith.subi %div3A, %sub3A : i32
    %select_n3A_30 = arith.select %and3A, %sub3A_29, %div3A : i32
    %while3A = arith.constant 0 : i32
    %while3A_31 = arith.constant 0 : i32
    %while3A_32 = arith.subi %select_n3A_30, %while3A_31 : i32
    %while3A_33 = arith.addi %while3A_31, %while3A_32 : i32
    %while3A_34 = arith.constant 1 : i32
    %while3A_35 = arith.divsi %while3A_32, %while3A_34 : i32
    %while3A_36 = arith.muli %while3A_35, %while3A_34 : i32
    %while3A_37 = arith.addi %while3A_31, %while3A_36 : i32
    %while3A_38 = arith.constant 1 : i32
    scf.for %while3A_47 = %while3A_31 to %while3A_37 step %while3A_38  : i32 {
      %mul3A_48 = arith.constant 8 : i32
      %mul3A_49 = arith.muli %while3A_47, %mul3A_48 : i32
      %add3A_50 = arith.addi %add3A, %mul3A_49 : i32
      "tpu.region"() ({
        %run_scoped3A = tpu.sem_alloc : memref<!tpu.dma_semaphore, #tpu.memory_space<semaphore_mem>>
        %dma_start3A_63 = arith.constant 0 : i32
        %dma_start3A_64 = tpu.memref_slice %arg3[%add3A_50, %dma_start3A_63] : memref<2560x128xi32, #tpu.memory_space<hbm>> -> memref<8x128xi32, #tpu.memory_space<hbm>>
        %dma_start3A_65 = arith.constant 0 : i32
        %dma_start3A_66 = tpu.memref_slice %arg3[%add3A_50, %dma_start3A_65] : memref<2560x128xi32, #tpu.memory_space<hbm>> -> memref<8x128xi32, #tpu.memory_space<hbm>>
        tpu.enqueue_dma source(%dma_start3A_66 : memref<8x128xi32, #tpu.memory_space<hbm>>) target(%arg7 : memref<8x128xi32, #tpu.memory_space<vmem>>) target_semaphore(%run_scoped3A : memref<!tpu.dma_semaphore, #tpu.memory_space<semaphore_mem>>)
        %dma_wait3A = arith.constant 0 : i32
        %dma_wait3A_67 = tpu.memref_slice %arg3[%add3A_50, %dma_wait3A] : memref<2560x128xi32, #tpu.memory_space<hbm>> -> memref<8x128xi32, #tpu.memory_space<hbm>>
        %dma_wait3A_68 = arith.constant 0 : i32
        %dma_wait3A_69 = tpu.memref_slice %arg3[%add3A_50, %dma_wait3A_68] : memref<2560x128xi32, #tpu.memory_space<hbm>> -> memref<8x128xi32, #tpu.memory_space<hbm>>
        tpu.wait_dma2 semaphore(%run_scoped3A : memref<!tpu.dma_semaphore, #tpu.memory_space<semaphore_mem>>) src(%dma_wait3A_69 : memref<8x128xi32, #tpu.memory_space<hbm>>) dst(%arg7 : memref<8x128xi32, #tpu.memory_space<vmem>>)
        tpu.yield
      }) : () -> ()
      "tpu.region"() ({
        %run_scoped3A = tpu.sem_alloc : memref<!tpu.dma_semaphore, #tpu.memory_space<semaphore_mem>>
        %dma_start3A_63 = arith.constant 0 : i32
        %dma_start3A_64 = tpu.memref_slice %arg4[%add3A_50, %dma_start3A_63] : memref<2560x128xi32, #tpu.memory_space<hbm>> -> memref<8x128xi32, #tpu.memory_space<hbm>>
        %dma_start3A_65 = arith.constant 0 : i32
        %dma_start3A_66 = tpu.memref_slice %arg4[%add3A_50, %dma_start3A_65] : memref<2560x128xi32, #tpu.memory_space<hbm>> -> memref<8x128xi32, #tpu.memory_space<hbm>>
        tpu.enqueue_dma source(%dma_start3A_66 : memref<8x128xi32, #tpu.memory_space<hbm>>) target(%arg8 : memref<8x128xi32, #tpu.memory_space<vmem>>) target_semaphore(%run_scoped3A : memref<!tpu.dma_semaphore, #tpu.memory_space<semaphore_mem>>)
        %dma_wait3A = arith.constant 0 : i32
        %dma_wait3A_67 = tpu.memref_slice %arg4[%add3A_50, %dma_wait3A] : memref<2560x128xi32, #tpu.memory_space<hbm>> -> memref<8x128xi32, #tpu.memory_space<hbm>>
        %dma_wait3A_68 = arith.constant 0 : i32
        %dma_wait3A_69 = tpu.memref_slice %arg4[%add3A_50, %dma_wait3A_68] : memref<2560x128xi32, #tpu.memory_space<hbm>> -> memref<8x128xi32, #tpu.memory_space<hbm>>
        tpu.wait_dma2 semaphore(%run_scoped3A : memref<!tpu.dma_semaphore, #tpu.memory_space<semaphore_mem>>) src(%dma_wait3A_69 : memref<8x128xi32, #tpu.memory_space<hbm>>) dst(%arg8 : memref<8x128xi32, #tpu.memory_space<vmem>>)
        tpu.yield
      }) : () -> ()
      %dma_start3A = arith.constant 0 : i32
      %dma_start3A_51 = arith.constant 0 : i32
      %dma_start3A_52 = tpu.memref_slice %arg7[%dma_start3A, %dma_start3A_51] : memref<8x128xi32, #tpu.memory_space<vmem>> -> memref<1x128xi32, #tpu.memory_space<vmem>>
      %dma_start3A_53 = tpu.memref_squeeze %dma_start3A_52 : memref<1x128xi32, #tpu.memory_space<vmem>> -> memref<128xi32, #tpu.memory_space<vmem>>
      %dma_start3A_54 = arith.constant 0 : i32
      %dma_start3A_55 = arith.constant 0 : i32
      %dma_start3A_56 = tpu.memref_slice %arg2[%dma_start3A_54, %dma_start3A_55] : memref<10240x128xf32, #tpu.memory_space<hbm>> -> memref<10240x128xf32, #tpu.memory_space<hbm>>
      tpu.enqueue_indirect_dma source(%dma_start3A_56 : memref<10240x128xf32, #tpu.memory_space<hbm>>) target(%arg9 : memref<128x128xf32, #tpu.memory_space<vmem>>) offsets(%dma_start3A_53 : memref<128xi32, #tpu.memory_space<vmem>>) semaphore(%arg12 : memref<!tpu.dma_semaphore, #tpu.memory_space<semaphore_mem>>)
      %scan3A_57 = arith.constant 0 : i32
      %scan3A_58 = arith.constant 0 : i32
      %scan3A_59 = arith.constant 4 : i32
      %scan3A_60 = arith.addi %scan3A_58, %scan3A_59 : i32
      %scan3A_61 = arith.constant 1 : i32
      scf.for %scan3A_63 = %scan3A_58 to %scan3A_60 step %scan3A_61  : i32 {
        %mul3A_64 = arith.constant 2 : i32
        %mul3A_65 = arith.muli %mul3A_64, %scan3A_63 : i32
        %add3A_66 = arith.constant 1 : i32
        %add3A_67 = arith.addi %mul3A_65, %add3A_66 : i32
        %dma_start3A_68 = arith.constant 0 : i32
        %dma_start3A_69 = tpu.memref_slice %arg7[%add3A_67, %dma_start3A_68] : memref<8x128xi32, #tpu.memory_space<vmem>> -> memref<1x128xi32, #tpu.memory_space<vmem>>
        %dma_start3A_70 = tpu.memref_squeeze %dma_start3A_69 : memref<1x128xi32, #tpu.memory_space<vmem>> -> memref<128xi32, #tpu.memory_space<vmem>>
        %dma_start3A_71 = arith.constant 0 : i32
        %dma_start3A_72 = arith.constant 0 : i32
        %dma_start3A_73 = tpu.memref_slice %arg2[%dma_start3A_71, %dma_start3A_72] : memref<10240x128xf32, #tpu.memory_space<hbm>> -> memref<10240x128xf32, #tpu.memory_space<hbm>>
        tpu.enqueue_indirect_dma source(%dma_start3A_73 : memref<10240x128xf32, #tpu.memory_space<hbm>>) target(%arg10 : memref<128x128xf32, #tpu.memory_space<vmem>>) offsets(%dma_start3A_70 : memref<128xi32, #tpu.memory_space<vmem>>) semaphore(%arg13 : memref<!tpu.dma_semaphore, #tpu.memory_space<semaphore_mem>>)
        %dma_wait3A = arith.constant 0 : i32
        %dma_wait3A_74 = arith.constant 0 : i32
        %dma_wait3A_75 = tpu.memref_slice %arg2[%dma_wait3A, %dma_wait3A_74] : memref<10240x128xf32, #tpu.memory_space<hbm>> -> memref<128x128xf32, #tpu.memory_space<hbm>>
        %dma_wait3A_76 = arith.constant 0 : i32
        %dma_wait3A_77 = arith.constant 0 : i32
        %dma_wait3A_78 = tpu.memref_slice %arg2[%dma_wait3A_76, %dma_wait3A_77] : memref<10240x128xf32, #tpu.memory_space<hbm>> -> memref<128x128xf32, #tpu.memory_space<hbm>>
        tpu.wait_dma2 semaphore(%arg12 : memref<!tpu.dma_semaphore, #tpu.memory_space<semaphore_mem>>) src(%dma_wait3A_78 : memref<128x128xf32, #tpu.memory_space<hbm>>) dst(%arg9 : memref<128x128xf32, #tpu.memory_space<vmem>>)
        "tpu.region"() ({
          %run_scoped3A = tpu.sem_alloc : memref<!tpu.dma_semaphore, #tpu.memory_space<semaphore_mem>>
          %dma_start3A_91 = arith.constant 0 : i32
          %dma_start3A_92 = tpu.memref_slice %arg8[%mul3A_65, %dma_start3A_91] : memref<8x128xi32, #tpu.memory_space<vmem>> -> memref<1x128xi32, #tpu.memory_space<vmem>>
          %dma_start3A_93 = tpu.memref_squeeze %dma_start3A_92 : memref<1x128xi32, #tpu.memory_space<vmem>> -> memref<128xi32, #tpu.memory_space<vmem>>
          %dma_start3A_94 = arith.constant 0 : i32
          %dma_start3A_95 = arith.constant 0 : i32
          %dma_start3A_96 = tpu.memref_slice %arg11[%dma_start3A_94, %dma_start3A_95] : memref<10240x128xf32, #tpu.memory_space<vmem_shared>> -> memref<10240x128xf32, #tpu.memory_space<vmem_shared>>
          tpu.enqueue_indirect_dma source(%arg9 : memref<128x128xf32, #tpu.memory_space<vmem>>) target(%dma_start3A_96 : memref<10240x128xf32, #tpu.memory_space<vmem_shared>>) offsets(%dma_start3A_93 : memref<128xi32, #tpu.memory_space<vmem>>) semaphore(%run_scoped3A : memref<!tpu.dma_semaphore, #tpu.memory_space<semaphore_mem>>) {add = true}
          %dma_wait3A_97 = arith.constant 0 : i32
          %dma_wait3A_98 = tpu.memref_slice %arg8[%mul3A_65, %dma_wait3A_97] : memref<8x128xi32, #tpu.memory_space<vmem>> -> memref<1x128xi32, #tpu.memory_space<vmem>>
          %dma_wait3A_99 = tpu.memref_squeeze %dma_wait3A_98 : memref<1x128xi32, #tpu.memory_space<vmem>> -> memref<128xi32, #tpu.memory_space<vmem>>
          %dma_wait3A_100 = arith.constant 0 : i32
          %dma_wait3A_101 = arith.constant 0 : i32
          %dma_wait3A_102 = tpu.memref_slice %arg11[%dma_wait3A_100, %dma_wait3A_101] : memref<10240x128xf32, #tpu.memory_space<vmem_shared>> -> memref<10240x128xf32, #tpu.memory_space<vmem_shared>>
          tpu.wait_indirect_dma semaphore(%run_scoped3A : memref<!tpu.dma_semaphore, #tpu.memory_space<semaphore_mem>>) src(%arg9 : memref<128x128xf32, #tpu.memory_space<vmem>>) dst(%dma_wait3A_102 : memref<10240x128xf32, #tpu.memory_space<vmem_shared>>)
          tpu.yield
        }) : () -> ()
        %add3A_79 = arith.constant 1 : i32
        %add3A_80 = arith.addi %scan3A_63, %add3A_79 : i32
        %lt3A = arith.constant 4 : i32
        %lt3A_81 = arith.cmpi slt, %add3A_80, %lt3A : i32
        %convert_element_type3A = arith.extui %lt3A_81 : i1 to i32
        %cond3A = arith.constant 0 : i32
        %cond3A_82 = arith.cmpi ne, %convert_element_type3A, %cond3A : i32
        scf.if %cond3A_82 {
          %add3A_91 = arith.constant 2 : i32
          %add3A_92 = arith.addi %mul3A_65, %add3A_91 : i32
          %dma_start3A_93 = arith.constant 0 : i32
          %dma_start3A_94 = tpu.memref_slice %arg7[%add3A_92, %dma_start3A_93] : memref<8x128xi32, #tpu.memory_space<vmem>> -> memref<1x128xi32, #tpu.memory_space<vmem>>
          %dma_start3A_95 = tpu.memref_squeeze %dma_start3A_94 : memref<1x128xi32, #tpu.memory_space<vmem>> -> memref<128xi32, #tpu.memory_space<vmem>>
          %dma_start3A_96 = arith.constant 0 : i32
          %dma_start3A_97 = arith.constant 0 : i32
          %dma_start3A_98 = tpu.memref_slice %arg2[%dma_start3A_96, %dma_start3A_97] : memref<10240x128xf32, #tpu.memory_space<hbm>> -> memref<10240x128xf32, #tpu.memory_space<hbm>>
          tpu.enqueue_indirect_dma source(%dma_start3A_98 : memref<10240x128xf32, #tpu.memory_space<hbm>>) target(%arg9 : memref<128x128xf32, #tpu.memory_space<vmem>>) offsets(%dma_start3A_95 : memref<128xi32, #tpu.memory_space<vmem>>) semaphore(%arg12 : memref<!tpu.dma_semaphore, #tpu.memory_space<semaphore_mem>>)
        } else {
        }
        %dma_wait3A_83 = arith.constant 0 : i32
        %dma_wait3A_84 = arith.constant 0 : i32
        %dma_wait3A_85 = tpu.memref_slice %arg2[%dma_wait3A_83, %dma_wait3A_84] : memref<10240x128xf32, #tpu.memory_space<hbm>> -> memref<128x128xf32, #tpu.memory_space<hbm>>
        %dma_wait3A_86 = arith.constant 0 : i32
        %dma_wait3A_87 = arith.constant 0 : i32
        %dma_wait3A_88 = tpu.memref_slice %arg2[%dma_wait3A_86, %dma_wait3A_87] : memref<10240x128xf32, #tpu.memory_space<hbm>> -> memref<128x128xf32, #tpu.memory_space<hbm>>
        tpu.wait_dma2 semaphore(%arg13 : memref<!tpu.dma_semaphore, #tpu.memory_space<semaphore_mem>>) src(%dma_wait3A_88 : memref<128x128xf32, #tpu.memory_space<hbm>>) dst(%arg10 : memref<128x128xf32, #tpu.memory_space<vmem>>)
        %add3A_89 = arith.constant 1 : i32
        %add3A_90 = arith.addi %mul3A_65, %add3A_89 : i32
        "tpu.region"() ({
          %run_scoped3A = tpu.sem_alloc : memref<!tpu.dma_semaphore, #tpu.memory_space<semaphore_mem>>
          %dma_start3A_91 = arith.constant 0 : i32
          %dma_start3A_92 = tpu.memref_slice %arg8[%add3A_90, %dma_start3A_91] : memref<8x128xi32, #tpu.memory_space<vmem>> -> memref<1x128xi32, #tpu.memory_space<vmem>>
          %dma_start3A_93 = tpu.memref_squeeze %dma_start3A_92 : memref<1x128xi32, #tpu.memory_space<vmem>> -> memref<128xi32, #tpu.memory_space<vmem>>
          %dma_start3A_94 = arith.constant 0 : i32
          %dma_start3A_95 = arith.constant 0 : i32
          %dma_start3A_96 = tpu.memref_slice %arg11[%dma_start3A_94, %dma_start3A_95] : memref<10240x128xf32, #tpu.memory_space<vmem_shared>> -> memref<10240x128xf32, #tpu.memory_space<vmem_shared>>
          tpu.enqueue_indirect_dma source(%arg10 : memref<128x128xf32, #tpu.memory_space<vmem>>) target(%dma_start3A_96 : memref<10240x128xf32, #tpu.memory_space<vmem_shared>>) offsets(%dma_start3A_93 : memref<128xi32, #tpu.memory_space<vmem>>) semaphore(%run_scoped3A : memref<!tpu.dma_semaphore, #tpu.memory_space<semaphore_mem>>) {add = true}
          %dma_wait3A_97 = arith.constant 0 : i32
          %dma_wait3A_98 = tpu.memref_slice %arg8[%add3A_90, %dma_wait3A_97] : memref<8x128xi32, #tpu.memory_space<vmem>> -> memref<1x128xi32, #tpu.memory_space<vmem>>
          %dma_wait3A_99 = tpu.memref_squeeze %dma_wait3A_98 : memref<1x128xi32, #tpu.memory_space<vmem>> -> memref<128xi32, #tpu.memory_space<vmem>>
          %dma_wait3A_100 = arith.constant 0 : i32
          %dma_wait3A_101 = arith.constant 0 : i32
          %dma_wait3A_102 = tpu.memref_slice %arg11[%dma_wait3A_100, %dma_wait3A_101] : memref<10240x128xf32, #tpu.memory_space<vmem_shared>> -> memref<10240x128xf32, #tpu.memory_space<vmem_shared>>
          tpu.wait_indirect_dma semaphore(%run_scoped3A : memref<!tpu.dma_semaphore, #tpu.memory_space<semaphore_mem>>) src(%arg10 : memref<128x128xf32, #tpu.memory_space<vmem>>) dst(%dma_wait3A_102 : memref<10240x128xf32, #tpu.memory_space<vmem_shared>>)
          tpu.yield
        }) : () -> ()
      }
      %scan3A_62 = arith.constant 4 : i32
    }
    %while3A_39 = arith.constant 1 : i32
    scf.for %while3A_47 = %while3A_37 to %while3A_33 step %while3A_39  : i32 {
      %mul3A_48 = arith.constant 8 : i32
      %mul3A_49 = arith.muli %while3A_47, %mul3A_48 : i32
      %add3A_50 = arith.addi %add3A, %mul3A_49 : i32
      "tpu.region"() ({
        %run_scoped3A = tpu.sem_alloc : memref<!tpu.dma_semaphore, #tpu.memory_space<semaphore_mem>>
        %dma_start3A_63 = arith.constant 0 : i32
        %dma_start3A_64 = tpu.memref_slice %arg3[%add3A_50, %dma_start3A_63] : memref<2560x128xi32, #tpu.memory_space<hbm>> -> memref<8x128xi32, #tpu.memory_space<hbm>>
        %dma_start3A_65 = arith.constant 0 : i32
        %dma_start3A_66 = tpu.memref_slice %arg3[%add3A_50, %dma_start3A_65] : memref<2560x128xi32, #tpu.memory_space<hbm>> -> memref<8x128xi32, #tpu.memory_space<hbm>>
        tpu.enqueue_dma source(%dma_start3A_66 : memref<8x128xi32, #tpu.memory_space<hbm>>) target(%arg7 : memref<8x128xi32, #tpu.memory_space<vmem>>) target_semaphore(%run_scoped3A : memref<!tpu.dma_semaphore, #tpu.memory_space<semaphore_mem>>)
        %dma_wait3A = arith.constant 0 : i32
        %dma_wait3A_67 = tpu.memref_slice %arg3[%add3A_50, %dma_wait3A] : memref<2560x128xi32, #tpu.memory_space<hbm>> -> memref<8x128xi32, #tpu.memory_space<hbm>>
        %dma_wait3A_68 = arith.constant 0 : i32
        %dma_wait3A_69 = tpu.memref_slice %arg3[%add3A_50, %dma_wait3A_68] : memref<2560x128xi32, #tpu.memory_space<hbm>> -> memref<8x128xi32, #tpu.memory_space<hbm>>
        tpu.wait_dma2 semaphore(%run_scoped3A : memref<!tpu.dma_semaphore, #tpu.memory_space<semaphore_mem>>) src(%dma_wait3A_69 : memref<8x128xi32, #tpu.memory_space<hbm>>) dst(%arg7 : memref<8x128xi32, #tpu.memory_space<vmem>>)
        tpu.yield
      }) : () -> ()
      "tpu.region"() ({
        %run_scoped3A = tpu.sem_alloc : memref<!tpu.dma_semaphore, #tpu.memory_space<semaphore_mem>>
        %dma_start3A_63 = arith.constant 0 : i32
        %dma_start3A_64 = tpu.memref_slice %arg4[%add3A_50, %dma_start3A_63] : memref<2560x128xi32, #tpu.memory_space<hbm>> -> memref<8x128xi32, #tpu.memory_space<hbm>>
        %dma_start3A_65 = arith.constant 0 : i32
        %dma_start3A_66 = tpu.memref_slice %arg4[%add3A_50, %dma_start3A_65] : memref<2560x128xi32, #tpu.memory_space<hbm>> -> memref<8x128xi32, #tpu.memory_space<hbm>>
        tpu.enqueue_dma source(%dma_start3A_66 : memref<8x128xi32, #tpu.memory_space<hbm>>) target(%arg8 : memref<8x128xi32, #tpu.memory_space<vmem>>) target_semaphore(%run_scoped3A : memref<!tpu.dma_semaphore, #tpu.memory_space<semaphore_mem>>)
        %dma_wait3A = arith.constant 0 : i32
        %dma_wait3A_67 = tpu.memref_slice %arg4[%add3A_50, %dma_wait3A] : memref<2560x128xi32, #tpu.memory_space<hbm>> -> memref<8x128xi32, #tpu.memory_space<hbm>>
        %dma_wait3A_68 = arith.constant 0 : i32
        %dma_wait3A_69 = tpu.memref_slice %arg4[%add3A_50, %dma_wait3A_68] : memref<2560x128xi32, #tpu.memory_space<hbm>> -> memref<8x128xi32, #tpu.memory_space<hbm>>
        tpu.wait_dma2 semaphore(%run_scoped3A : memref<!tpu.dma_semaphore, #tpu.memory_space<semaphore_mem>>) src(%dma_wait3A_69 : memref<8x128xi32, #tpu.memory_space<hbm>>) dst(%arg8 : memref<8x128xi32, #tpu.memory_space<vmem>>)
        tpu.yield
      }) : () -> ()
      %dma_start3A = arith.constant 0 : i32
      %dma_start3A_51 = arith.constant 0 : i32
      %dma_start3A_52 = tpu.memref_slice %arg7[%dma_start3A, %dma_start3A_51] : memref<8x128xi32, #tpu.memory_space<vmem>> -> memref<1x128xi32, #tpu.memory_space<vmem>>
      %dma_start3A_53 = tpu.memref_squeeze %dma_start3A_52 : memref<1x128xi32, #tpu.memory_space<vmem>> -> memref<128xi32, #tpu.memory_space<vmem>>
      %dma_start3A_54 = arith.constant 0 : i32
      %dma_start3A_55 = arith.constant 0 : i32
      %dma_start3A_56 = tpu.memref_slice %arg2[%dma_start3A_54, %dma_start3A_55] : memref<10240x128xf32, #tpu.memory_space<hbm>> -> memref<10240x128xf32, #tpu.memory_space<hbm>>
      tpu.enqueue_indirect_dma source(%dma_start3A_56 : memref<10240x128xf32, #tpu.memory_space<hbm>>) target(%arg9 : memref<128x128xf32, #tpu.memory_space<vmem>>) offsets(%dma_start3A_53 : memref<128xi32, #tpu.memory_space<vmem>>) semaphore(%arg12 : memref<!tpu.dma_semaphore, #tpu.memory_space<semaphore_mem>>)
      %scan3A_57 = arith.constant 0 : i32
      %scan3A_58 = arith.constant 0 : i32
      %scan3A_59 = arith.constant 4 : i32
      %scan3A_60 = arith.addi %scan3A_58, %scan3A_59 : i32
      %scan3A_61 = arith.constant 1 : i32
      scf.for %scan3A_63 = %scan3A_58 to %scan3A_60 step %scan3A_61  : i32 {
        %mul3A_64 = arith.constant 2 : i32
        %mul3A_65 = arith.muli %mul3A_64, %scan3A_63 : i32
        %add3A_66 = arith.constant 1 : i32
        %add3A_67 = arith.addi %mul3A_65, %add3A_66 : i32
        %dma_start3A_68 = arith.constant 0 : i32
        %dma_start3A_69 = tpu.memref_slice %arg7[%add3A_67, %dma_start3A_68] : memref<8x128xi32, #tpu.memory_space<vmem>> -> memref<1x128xi32, #tpu.memory_space<vmem>>
        %dma_start3A_70 = tpu.memref_squeeze %dma_start3A_69 : memref<1x128xi32, #tpu.memory_space<vmem>> -> memref<128xi32, #tpu.memory_space<vmem>>
        %dma_start3A_71 = arith.constant 0 : i32
        %dma_start3A_72 = arith.constant 0 : i32
        %dma_start3A_73 = tpu.memref_slice %arg2[%dma_start3A_71, %dma_start3A_72] : memref<10240x128xf32, #tpu.memory_space<hbm>> -> memref<10240x128xf32, #tpu.memory_space<hbm>>
        tpu.enqueue_indirect_dma source(%dma_start3A_73 : memref<10240x128xf32, #tpu.memory_space<hbm>>) target(%arg10 : memref<128x128xf32, #tpu.memory_space<vmem>>) offsets(%dma_start3A_70 : memref<128xi32, #tpu.memory_space<vmem>>) semaphore(%arg13 : memref<!tpu.dma_semaphore, #tpu.memory_space<semaphore_mem>>)
        %dma_wait3A = arith.constant 0 : i32
        %dma_wait3A_74 = arith.constant 0 : i32
        %dma_wait3A_75 = tpu.memref_slice %arg2[%dma_wait3A, %dma_wait3A_74] : memref<10240x128xf32, #tpu.memory_space<hbm>> -> memref<128x128xf32, #tpu.memory_space<hbm>>
        %dma_wait3A_76 = arith.constant 0 : i32
        %dma_wait3A_77 = arith.constant 0 : i32
        %dma_wait3A_78 = tpu.memref_slice %arg2[%dma_wait3A_76, %dma_wait3A_77] : memref<10240x128xf32, #tpu.memory_space<hbm>> -> memref<128x128xf32, #tpu.memory_space<hbm>>
        tpu.wait_dma2 semaphore(%arg12 : memref<!tpu.dma_semaphore, #tpu.memory_space<semaphore_mem>>) src(%dma_wait3A_78 : memref<128x128xf32, #tpu.memory_space<hbm>>) dst(%arg9 : memref<128x128xf32, #tpu.memory_space<vmem>>)
        "tpu.region"() ({
          %run_scoped3A = tpu.sem_alloc : memref<!tpu.dma_semaphore, #tpu.memory_space<semaphore_mem>>
          %dma_start3A_91 = arith.constant 0 : i32
          %dma_start3A_92 = tpu.memref_slice %arg8[%mul3A_65, %dma_start3A_91] : memref<8x128xi32, #tpu.memory_space<vmem>> -> memref<1x128xi32, #tpu.memory_space<vmem>>
          %dma_start3A_93 = tpu.memref_squeeze %dma_start3A_92 : memref<1x128xi32, #tpu.memory_space<vmem>> -> memref<128xi32, #tpu.memory_space<vmem>>
          %dma_start3A_94 = arith.constant 0 : i32
          %dma_start3A_95 = arith.constant 0 : i32
          %dma_start3A_96 = tpu.memref_slice %arg11[%dma_start3A_94, %dma_start3A_95] : memref<10240x128xf32, #tpu.memory_space<vmem_shared>> -> memref<10240x128xf32, #tpu.memory_space<vmem_shared>>
          tpu.enqueue_indirect_dma source(%arg9 : memref<128x128xf32, #tpu.memory_space<vmem>>) target(%dma_start3A_96 : memref<10240x128xf32, #tpu.memory_space<vmem_shared>>) offsets(%dma_start3A_93 : memref<128xi32, #tpu.memory_space<vmem>>) semaphore(%run_scoped3A : memref<!tpu.dma_semaphore, #tpu.memory_space<semaphore_mem>>) {add = true}
          %dma_wait3A_97 = arith.constant 0 : i32
          %dma_wait3A_98 = tpu.memref_slice %arg8[%mul3A_65, %dma_wait3A_97] : memref<8x128xi32, #tpu.memory_space<vmem>> -> memref<1x128xi32, #tpu.memory_space<vmem>>
          %dma_wait3A_99 = tpu.memref_squeeze %dma_wait3A_98 : memref<1x128xi32, #tpu.memory_space<vmem>> -> memref<128xi32, #tpu.memory_space<vmem>>
          %dma_wait3A_100 = arith.constant 0 : i32
          %dma_wait3A_101 = arith.constant 0 : i32
          %dma_wait3A_102 = tpu.memref_slice %arg11[%dma_wait3A_100, %dma_wait3A_101] : memref<10240x128xf32, #tpu.memory_space<vmem_shared>> -> memref<10240x128xf32, #tpu.memory_space<vmem_shared>>
          tpu.wait_indirect_dma semaphore(%run_scoped3A : memref<!tpu.dma_semaphore, #tpu.memory_space<semaphore_mem>>) src(%arg9 : memref<128x128xf32, #tpu.memory_space<vmem>>) dst(%dma_wait3A_102 : memref<10240x128xf32, #tpu.memory_space<vmem_shared>>)
          tpu.yield
        }) : () -> ()
        %add3A_79 = arith.constant 1 : i32
        %add3A_80 = arith.addi %scan3A_63, %add3A_79 : i32
        %lt3A = arith.constant 4 : i32
        %lt3A_81 = arith.cmpi slt, %add3A_80, %lt3A : i32
        %convert_element_type3A = arith.extui %lt3A_81 : i1 to i32
        %cond3A = arith.constant 0 : i32
        %cond3A_82 = arith.cmpi ne, %convert_element_type3A, %cond3A : i32
        scf.if %cond3A_82 {
          %add3A_91 = arith.constant 2 : i32
          %add3A_92 = arith.addi %mul3A_65, %add3A_91 : i32
          %dma_start3A_93 = arith.constant 0 : i32
          %dma_start3A_94 = tpu.memref_slice %arg7[%add3A_92, %dma_start3A_93] : memref<8x128xi32, #tpu.memory_space<vmem>> -> memref<1x128xi32, #tpu.memory_space<vmem>>
          %dma_start3A_95 = tpu.memref_squeeze %dma_start3A_94 : memref<1x128xi32, #tpu.memory_space<vmem>> -> memref<128xi32, #tpu.memory_space<vmem>>
          %dma_start3A_96 = arith.constant 0 : i32
          %dma_start3A_97 = arith.constant 0 : i32
          %dma_start3A_98 = tpu.memref_slice %arg2[%dma_start3A_96, %dma_start3A_97] : memref<10240x128xf32, #tpu.memory_space<hbm>> -> memref<10240x128xf32, #tpu.memory_space<hbm>>
          tpu.enqueue_indirect_dma source(%dma_start3A_98 : memref<10240x128xf32, #tpu.memory_space<hbm>>) target(%arg9 : memref<128x128xf32, #tpu.memory_space<vmem>>) offsets(%dma_start3A_95 : memref<128xi32, #tpu.memory_space<vmem>>) semaphore(%arg12 : memref<!tpu.dma_semaphore, #tpu.memory_space<semaphore_mem>>)
        } else {
        }
        %dma_wait3A_83 = arith.constant 0 : i32
        %dma_wait3A_84 = arith.constant 0 : i32
        %dma_wait3A_85 = tpu.memref_slice %arg2[%dma_wait3A_83, %dma_wait3A_84] : memref<10240x128xf32, #tpu.memory_space<hbm>> -> memref<128x128xf32, #tpu.memory_space<hbm>>
        %dma_wait3A_86 = arith.constant 0 : i32
        %dma_wait3A_87 = arith.constant 0 : i32
        %dma_wait3A_88 = tpu.memref_slice %arg2[%dma_wait3A_86, %dma_wait3A_87] : memref<10240x128xf32, #tpu.memory_space<hbm>> -> memref<128x128xf32, #tpu.memory_space<hbm>>
        tpu.wait_dma2 semaphore(%arg13 : memref<!tpu.dma_semaphore, #tpu.memory_space<semaphore_mem>>) src(%dma_wait3A_88 : memref<128x128xf32, #tpu.memory_space<hbm>>) dst(%arg10 : memref<128x128xf32, #tpu.memory_space<vmem>>)
        %add3A_89 = arith.constant 1 : i32
        %add3A_90 = arith.addi %mul3A_65, %add3A_89 : i32
        "tpu.region"() ({
          %run_scoped3A = tpu.sem_alloc : memref<!tpu.dma_semaphore, #tpu.memory_space<semaphore_mem>>
          %dma_start3A_91 = arith.constant 0 : i32
          %dma_start3A_92 = tpu.memref_slice %arg8[%add3A_90, %dma_start3A_91] : memref<8x128xi32, #tpu.memory_space<vmem>> -> memref<1x128xi32, #tpu.memory_space<vmem>>
          %dma_start3A_93 = tpu.memref_squeeze %dma_start3A_92 : memref<1x128xi32, #tpu.memory_space<vmem>> -> memref<128xi32, #tpu.memory_space<vmem>>
          %dma_start3A_94 = arith.constant 0 : i32
          %dma_start3A_95 = arith.constant 0 : i32
          %dma_start3A_96 = tpu.memref_slice %arg11[%dma_start3A_94, %dma_start3A_95] : memref<10240x128xf32, #tpu.memory_space<vmem_shared>> -> memref<10240x128xf32, #tpu.memory_space<vmem_shared>>
          tpu.enqueue_indirect_dma source(%arg10 : memref<128x128xf32, #tpu.memory_space<vmem>>) target(%dma_start3A_96 : memref<10240x128xf32, #tpu.memory_space<vmem_shared>>) offsets(%dma_start3A_93 : memref<128xi32, #tpu.memory_space<vmem>>) semaphore(%run_scoped3A : memref<!tpu.dma_semaphore, #tpu.memory_space<semaphore_mem>>) {add = true}
          %dma_wait3A_97 = arith.constant 0 : i32
          %dma_wait3A_98 = tpu.memref_slice %arg8[%add3A_90, %dma_wait3A_97] : memref<8x128xi32, #tpu.memory_space<vmem>> -> memref<1x128xi32, #tpu.memory_space<vmem>>
          %dma_wait3A_99 = tpu.memref_squeeze %dma_wait3A_98 : memref<1x128xi32, #tpu.memory_space<vmem>> -> memref<128xi32, #tpu.memory_space<vmem>>
          %dma_wait3A_100 = arith.constant 0 : i32
          %dma_wait3A_101 = arith.constant 0 : i32
          %dma_wait3A_102 = tpu.memref_slice %arg11[%dma_wait3A_100, %dma_wait3A_101] : memref<10240x128xf32, #tpu.memory_space<vmem_shared>> -> memref<10240x128xf32, #tpu.memory_space<vmem_shared>>
          tpu.wait_indirect_dma semaphore(%run_scoped3A : memref<!tpu.dma_semaphore, #tpu.memory_space<semaphore_mem>>) src(%arg10 : memref<128x128xf32, #tpu.memory_space<vmem>>) dst(%dma_wait3A_102 : memref<10240x128xf32, #tpu.memory_space<vmem_shared>>)
          tpu.yield
        }) : () -> ()
      }
      %scan3A_62 = arith.constant 4 : i32
    }
    %barrier3A_40 = arith.constant 0 : index
    tpu.barrier barrier_id(%barrier3A_40)
    %scan3A_41 = arith.constant 0 : i32
    %scan3A_42 = arith.constant 0 : i32
    %scan3A_43 = arith.constant 5 : i32
    %scan3A_44 = arith.addi %scan3A_42, %scan3A_43 : i32
    %scan3A_45 = arith.constant 1 : i32
    scf.for %scan3A_47 = %scan3A_42 to %scan3A_44 step %scan3A_45  : i32 {
      %mul3A_48 = arith.constant 128 : i32
      %mul3A_49 = arith.muli %scan3A_47, %mul3A_48 : i32
      %add3A_50 = arith.addi %mul3A_0, %mul3A_49 : i32
      "tpu.region"() ({
        %run_scoped3A = tpu.sem_alloc : memref<!tpu.dma_semaphore, #tpu.memory_space<semaphore_mem>>
        %dma_start3A = arith.constant 0 : i32
        %dma_start3A_57 = tpu.memref_slice %arg11[%add3A_50, %dma_start3A] : memref<10240x128xf32, #tpu.memory_space<vmem_shared>> -> memref<128x128xf32, #tpu.memory_space<vmem_shared>>
        %dma_start3A_58 = arith.constant 0 : i32
        %dma_start3A_59 = tpu.memref_slice %arg11[%add3A_50, %dma_start3A_58] : memref<10240x128xf32, #tpu.memory_space<vmem_shared>> -> memref<128x128xf32, #tpu.memory_space<vmem_shared>>
        tpu.enqueue_dma source(%dma_start3A_59 : memref<128x128xf32, #tpu.memory_space<vmem_shared>>) target(%arg9 : memref<128x128xf32, #tpu.memory_space<vmem>>) target_semaphore(%run_scoped3A : memref<!tpu.dma_semaphore, #tpu.memory_space<semaphore_mem>>)
        %dma_wait3A = arith.constant 0 : i32
        %dma_wait3A_60 = tpu.memref_slice %arg11[%add3A_50, %dma_wait3A] : memref<10240x128xf32, #tpu.memory_space<vmem_shared>> -> memref<128x128xf32, #tpu.memory_space<vmem_shared>>
        %dma_wait3A_61 = arith.constant 0 : i32
        %dma_wait3A_62 = tpu.memref_slice %arg11[%add3A_50, %dma_wait3A_61] : memref<10240x128xf32, #tpu.memory_space<vmem_shared>> -> memref<128x128xf32, #tpu.memory_space<vmem_shared>>
        tpu.wait_dma2 semaphore(%run_scoped3A : memref<!tpu.dma_semaphore, #tpu.memory_space<semaphore_mem>>) src(%dma_wait3A_62 : memref<128x128xf32, #tpu.memory_space<vmem_shared>>) dst(%arg9 : memref<128x128xf32, #tpu.memory_space<vmem>>)
        tpu.yield
      }) : () -> ()
      %mul3A_51 = arith.constant 10240 : i32
      %mul3A_52 = arith.muli %arg0, %mul3A_51 : i32
      %add3A_53 = arith.addi %mul3A_52, %mul3A_0 : i32
      %mul3A_54 = arith.constant 128 : i32
      %mul3A_55 = arith.muli %scan3A_47, %mul3A_54 : i32
      %add3A_56 = arith.addi %add3A_53, %mul3A_55 : i32
      "tpu.region"() ({
        %run_scoped3A = tpu.sem_alloc : memref<!tpu.dma_semaphore, #tpu.memory_space<semaphore_mem>>
        %dma_start3A = arith.constant 0 : i32
        %dma_start3A_57 = tpu.memref_slice %arg6[%add3A_56, %dma_start3A] : memref<20480x128xf32, #tpu.memory_space<hbm>> -> memref<128x128xf32, #tpu.memory_space<hbm>>
        %dma_start3A_58 = arith.constant 0 : i32
        %dma_start3A_59 = tpu.memref_slice %arg6[%add3A_56, %dma_start3A_58] : memref<20480x128xf32, #tpu.memory_space<hbm>> -> memref<128x128xf32, #tpu.memory_space<hbm>>
        tpu.enqueue_dma source(%arg9 : memref<128x128xf32, #tpu.memory_space<vmem>>) target(%dma_start3A_59 : memref<128x128xf32, #tpu.memory_space<hbm>>) target_semaphore(%run_scoped3A : memref<!tpu.dma_semaphore, #tpu.memory_space<semaphore_mem>>)
        %dma_wait3A = arith.constant 0 : i32
        %dma_wait3A_60 = tpu.memref_slice %arg6[%add3A_56, %dma_wait3A] : memref<20480x128xf32, #tpu.memory_space<hbm>> -> memref<128x128xf32, #tpu.memory_space<hbm>>
        %dma_wait3A_61 = arith.constant 0 : i32
        %dma_wait3A_62 = tpu.memref_slice %arg6[%add3A_56, %dma_wait3A_61] : memref<20480x128xf32, #tpu.memory_space<hbm>> -> memref<128x128xf32, #tpu.memory_space<hbm>>
        tpu.wait_dma2 semaphore(%run_scoped3A : memref<!tpu.dma_semaphore, #tpu.memory_space<semaphore_mem>>) src(%arg9 : memref<128x128xf32, #tpu.memory_space<vmem>>) dst(%dma_wait3A_62 : memref<128x128xf32, #tpu.memory_space<hbm>>)
        tpu.yield
      }) : () -> ()
    }
    %scan3A_46 = arith.constant 5 : i32
    return
  }
}

#map = affine_map<(d0, d1) -> (0, 0)>
module attributes {stable_mosaic.version = 14 : i64} {
  func.func @_sc_scatter_body(%arg0: i32, %arg1: i32, %arg2: memref<10240x128xf32, #tpu.memory_space<hbm>>, %arg3: memref<2560x128xi32, #tpu.memory_space<hbm>>, %arg4: memref<2560x128xi32, #tpu.memory_space<hbm>>, %arg5: memref<128x128xf32, #tpu.memory_space<hbm>>, %arg6: memref<20480x128xf32, #tpu.memory_space<hbm>>, %arg7: memref<8x128xi32, #tpu.memory_space<vmem>>, %arg8: memref<8x128xi32, #tpu.memory_space<vmem>>, %arg9: memref<128x128xf32, #tpu.memory_space<vmem>>, %arg10: memref<128x128xf32, #tpu.memory_space<vmem>>, %arg11: memref<10240x128xf32, #tpu.memory_space<vmem_shared>>, %arg12: memref<!tpu.dma_semaphore, #tpu.memory_space<semaphore_mem>>, %arg13: memref<!tpu.dma_semaphore, #tpu.memory_space<semaphore_mem>>) attributes {dimension_semantics = [#tpu.dimension_semantics<core_parallel>, #tpu.dimension_semantics<subcore_parallel>], iteration_bounds = array<i64: 2, 16>, scalar_prefetch = 0 : i64, scratch_operands = 7 : i64, tpu.core_type = #tpu.core_type<sc_vector_subcore>, window_params = [{transform_indices = #map}, {transform_indices = #map}, {transform_indices = #map}, {transform_indices = #map}, {transform_indices = #map}]} {
    %mul3A = arith.constant 640 : i32
    %mul3A_0 = arith.muli %arg1, %mul3A : i32
    "tpu.region"() ({
      %run_scoped3A = tpu.sem_alloc : memref<!tpu.dma_semaphore, #tpu.memory_space<semaphore_mem>>
      tpu.enqueue_dma source(%arg5 : memref<128x128xf32, #tpu.memory_space<hbm>>) target(%arg9 : memref<128x128xf32, #tpu.memory_space<vmem>>) target_semaphore(%run_scoped3A : memref<!tpu.dma_semaphore, #tpu.memory_space<semaphore_mem>>)
      tpu.wait_dma2 semaphore(%run_scoped3A : memref<!tpu.dma_semaphore, #tpu.memory_space<semaphore_mem>>) src(%arg5 : memref<128x128xf32, #tpu.memory_space<hbm>>) dst(%arg9 : memref<128x128xf32, #tpu.memory_space<vmem>>)
      tpu.yield
    }) : () -> ()
    %scan3A = arith.constant 0 : i32
    %scan3A_1 = arith.constant 0 : i32
    %scan3A_2 = arith.constant 5 : i32
    %scan3A_3 = arith.addi %scan3A_1, %scan3A_2 : i32
    %scan3A_4 = arith.constant 1 : i32
    scf.for %scan3A_47 = %scan3A_1 to %scan3A_3 step %scan3A_4  : i32 {
      %mul3A_48 = arith.constant 128 : i32
      %mul3A_49 = arith.muli %scan3A_47, %mul3A_48 : i32
      %add3A_50 = arith.addi %mul3A_0, %mul3A_49 : i32
      "tpu.region"() ({
        %run_scoped3A = tpu.sem_alloc : memref<!tpu.dma_semaphore, #tpu.memory_space<semaphore_mem>>
        %dma_start3A = arith.constant 0 : i32
        %dma_start3A_51 = tpu.memref_slice %arg11[%add3A_50, %dma_start3A] : memref<10240x128xf32, #tpu.memory_space<vmem_shared>> -> memref<128x128xf32, #tpu.memory_space<vmem_shared>>
        %dma_start3A_52 = arith.constant 0 : i32
        %dma_start3A_53 = tpu.memref_slice %arg11[%add3A_50, %dma_start3A_52] : memref<10240x128xf32, #tpu.memory_space<vmem_shared>> -> memref<128x128xf32, #tpu.memory_space<vmem_shared>>
        tpu.enqueue_dma source(%arg9 : memref<128x128xf32, #tpu.memory_space<vmem>>) target(%dma_start3A_53 : memref<128x128xf32, #tpu.memory_space<vmem_shared>>) target_semaphore(%run_scoped3A : memref<!tpu.dma_semaphore, #tpu.memory_space<semaphore_mem>>)
        %dma_wait3A = arith.constant 0 : i32
        %dma_wait3A_54 = tpu.memref_slice %arg11[%add3A_50, %dma_wait3A] : memref<10240x128xf32, #tpu.memory_space<vmem_shared>> -> memref<128x128xf32, #tpu.memory_space<vmem_shared>>
        %dma_wait3A_55 = arith.constant 0 : i32
        %dma_wait3A_56 = tpu.memref_slice %arg11[%add3A_50, %dma_wait3A_55] : memref<10240x128xf32, #tpu.memory_space<vmem_shared>> -> memref<128x128xf32, #tpu.memory_space<vmem_shared>>
        tpu.wait_dma2 semaphore(%run_scoped3A : memref<!tpu.dma_semaphore, #tpu.memory_space<semaphore_mem>>) src(%arg9 : memref<128x128xf32, #tpu.memory_space<vmem>>) dst(%dma_wait3A_56 : memref<128x128xf32, #tpu.memory_space<vmem_shared>>)
        tpu.yield
      }) : () -> ()
    }
    %scan3A_5 = arith.constant 5 : i32
    %barrier3A = arith.constant 0 : index
    tpu.barrier barrier_id(%barrier3A)
    %eq3A = arith.constant 0 : i32
    %eq3A_6 = arith.cmpi eq, %arg0, %eq3A : i32
    %jit3A = arith.constant 152 : i32
    %jit3A_7 = arith.constant 8 : i32
    %select_n3A = arith.select %eq3A_6, %jit3A, %jit3A_7 : i32
    %mul3A_8 = arith.constant 16 : i32
    %mul3A_9 = arith.muli %arg0, %mul3A_8 : i32
    %mul3A_10 = arith.constant 152 : i32
    %mul3A_11 = arith.muli %mul3A_9, %mul3A_10 : i32
    %mul3A_12 = arith.muli %arg1, %select_n3A : i32
    %add3A = arith.addi %mul3A_11, %mul3A_12 : i32
    %jit3A_13 = arith.constant 8 : i32
    %div3A = arith.divsi %select_n3A, %jit3A_13 : i32
    %sign3A = arith.constant 0 : i32
    %sign3A_14 = arith.cmpi sgt, %select_n3A, %sign3A : i32
    %sign3A_15 = arith.extui %sign3A_14 : i1 to i32
    %sign3A_16 = arith.constant 0 : i32
    %sign3A_17 = arith.cmpi slt, %select_n3A, %sign3A_16 : i32
    %sign3A_18 = arith.extui %sign3A_17 : i1 to i32
    %sign3A_19 = arith.subi %sign3A_15, %sign3A_18 : i32
    %sign3A_20 = arith.constant 0 : i32
    %sign3A_21 = arith.cmpi sgt, %jit3A_13, %sign3A_20 : i32
    %sign3A_22 = arith.extui %sign3A_21 : i1 to i32
    %sign3A_23 = arith.constant 0 : i32
    %sign3A_24 = arith.cmpi slt, %jit3A_13, %sign3A_23 : i32
    %sign3A_25 = arith.extui %sign3A_24 : i1 to i32
    %sign3A_26 = arith.subi %sign3A_22, %sign3A_25 : i32
    %ne3A = arith.cmpi ne, %sign3A_19, %sign3A_26 : i32
    %rem3A = arith.remsi %select_n3A, %jit3A_13 : i32
    %ne3A_27 = arith.constant 0 : i32
    %ne3A_28 = arith.cmpi ne, %rem3A, %ne3A_27 : i32
    %and3A = arith.andi %ne3A, %ne3A_28 : i1
    %sub3A = arith.constant 1 : i32
    %sub3A_29 = arith.subi %div3A, %sub3A : i32
    %select_n3A_30 = arith.select %and3A, %sub3A_29, %div3A : i32
    %while3A = arith.constant 0 : i32
    %while3A_31 = arith.constant 0 : i32
    %while3A_32 = arith.subi %select_n3A_30, %while3A_31 : i32
    %while3A_33 = arith.addi %while3A_31, %while3A_32 : i32
    %while3A_34 = arith.constant 1 : i32
    %while3A_35 = arith.divsi %while3A_32, %while3A_34 : i32
    %while3A_36 = arith.muli %while3A_35, %while3A_34 : i32
    %while3A_37 = arith.addi %while3A_31, %while3A_36 : i32
    %while3A_38 = arith.constant 1 : i32
    scf.for %while3A_47 = %while3A_31 to %while3A_37 step %while3A_38  : i32 {
      %mul3A_48 = arith.constant 8 : i32
      %mul3A_49 = arith.muli %while3A_47, %mul3A_48 : i32
      %add3A_50 = arith.addi %add3A, %mul3A_49 : i32
      "tpu.region"() ({
        %run_scoped3A = tpu.sem_alloc : memref<!tpu.dma_semaphore, #tpu.memory_space<semaphore_mem>>
        %dma_start3A_63 = arith.constant 0 : i32
        %dma_start3A_64 = tpu.memref_slice %arg3[%add3A_50, %dma_start3A_63] : memref<2560x128xi32, #tpu.memory_space<hbm>> -> memref<8x128xi32, #tpu.memory_space<hbm>>
        %dma_start3A_65 = arith.constant 0 : i32
        %dma_start3A_66 = tpu.memref_slice %arg3[%add3A_50, %dma_start3A_65] : memref<2560x128xi32, #tpu.memory_space<hbm>> -> memref<8x128xi32, #tpu.memory_space<hbm>>
        tpu.enqueue_dma source(%dma_start3A_66 : memref<8x128xi32, #tpu.memory_space<hbm>>) target(%arg7 : memref<8x128xi32, #tpu.memory_space<vmem>>) target_semaphore(%run_scoped3A : memref<!tpu.dma_semaphore, #tpu.memory_space<semaphore_mem>>)
        %dma_wait3A = arith.constant 0 : i32
        %dma_wait3A_67 = tpu.memref_slice %arg3[%add3A_50, %dma_wait3A] : memref<2560x128xi32, #tpu.memory_space<hbm>> -> memref<8x128xi32, #tpu.memory_space<hbm>>
        %dma_wait3A_68 = arith.constant 0 : i32
        %dma_wait3A_69 = tpu.memref_slice %arg3[%add3A_50, %dma_wait3A_68] : memref<2560x128xi32, #tpu.memory_space<hbm>> -> memref<8x128xi32, #tpu.memory_space<hbm>>
        tpu.wait_dma2 semaphore(%run_scoped3A : memref<!tpu.dma_semaphore, #tpu.memory_space<semaphore_mem>>) src(%dma_wait3A_69 : memref<8x128xi32, #tpu.memory_space<hbm>>) dst(%arg7 : memref<8x128xi32, #tpu.memory_space<vmem>>)
        tpu.yield
      }) : () -> ()
      "tpu.region"() ({
        %run_scoped3A = tpu.sem_alloc : memref<!tpu.dma_semaphore, #tpu.memory_space<semaphore_mem>>
        %dma_start3A_63 = arith.constant 0 : i32
        %dma_start3A_64 = tpu.memref_slice %arg4[%add3A_50, %dma_start3A_63] : memref<2560x128xi32, #tpu.memory_space<hbm>> -> memref<8x128xi32, #tpu.memory_space<hbm>>
        %dma_start3A_65 = arith.constant 0 : i32
        %dma_start3A_66 = tpu.memref_slice %arg4[%add3A_50, %dma_start3A_65] : memref<2560x128xi32, #tpu.memory_space<hbm>> -> memref<8x128xi32, #tpu.memory_space<hbm>>
        tpu.enqueue_dma source(%dma_start3A_66 : memref<8x128xi32, #tpu.memory_space<hbm>>) target(%arg8 : memref<8x128xi32, #tpu.memory_space<vmem>>) target_semaphore(%run_scoped3A : memref<!tpu.dma_semaphore, #tpu.memory_space<semaphore_mem>>)
        %dma_wait3A = arith.constant 0 : i32
        %dma_wait3A_67 = tpu.memref_slice %arg4[%add3A_50, %dma_wait3A] : memref<2560x128xi32, #tpu.memory_space<hbm>> -> memref<8x128xi32, #tpu.memory_space<hbm>>
        %dma_wait3A_68 = arith.constant 0 : i32
        %dma_wait3A_69 = tpu.memref_slice %arg4[%add3A_50, %dma_wait3A_68] : memref<2560x128xi32, #tpu.memory_space<hbm>> -> memref<8x128xi32, #tpu.memory_space<hbm>>
        tpu.wait_dma2 semaphore(%run_scoped3A : memref<!tpu.dma_semaphore, #tpu.memory_space<semaphore_mem>>) src(%dma_wait3A_69 : memref<8x128xi32, #tpu.memory_space<hbm>>) dst(%arg8 : memref<8x128xi32, #tpu.memory_space<vmem>>)
        tpu.yield
      }) : () -> ()
      %dma_start3A = arith.constant 0 : i32
      %dma_start3A_51 = arith.constant 0 : i32
      %dma_start3A_52 = tpu.memref_slice %arg7[%dma_start3A, %dma_start3A_51] : memref<8x128xi32, #tpu.memory_space<vmem>> -> memref<1x128xi32, #tpu.memory_space<vmem>>
      %dma_start3A_53 = tpu.memref_squeeze %dma_start3A_52 : memref<1x128xi32, #tpu.memory_space<vmem>> -> memref<128xi32, #tpu.memory_space<vmem>>
      %dma_start3A_54 = arith.constant 0 : i32
      %dma_start3A_55 = arith.constant 0 : i32
      %dma_start3A_56 = tpu.memref_slice %arg2[%dma_start3A_54, %dma_start3A_55] : memref<10240x128xf32, #tpu.memory_space<hbm>> -> memref<10240x128xf32, #tpu.memory_space<hbm>>
      tpu.enqueue_indirect_dma source(%dma_start3A_56 : memref<10240x128xf32, #tpu.memory_space<hbm>>) target(%arg9 : memref<128x128xf32, #tpu.memory_space<vmem>>) offsets(%dma_start3A_53 : memref<128xi32, #tpu.memory_space<vmem>>) semaphore(%arg12 : memref<!tpu.dma_semaphore, #tpu.memory_space<semaphore_mem>>)
      %scan3A_57 = arith.constant 0 : i32
      %scan3A_58 = arith.constant 0 : i32
      %scan3A_59 = arith.constant 4 : i32
      %scan3A_60 = arith.addi %scan3A_58, %scan3A_59 : i32
      %scan3A_61 = arith.constant 1 : i32
      scf.for %scan3A_63 = %scan3A_58 to %scan3A_60 step %scan3A_61  : i32 {
        %mul3A_64 = arith.constant 2 : i32
        %mul3A_65 = arith.muli %mul3A_64, %scan3A_63 : i32
        %add3A_66 = arith.constant 1 : i32
        %add3A_67 = arith.addi %mul3A_65, %add3A_66 : i32
        %dma_start3A_68 = arith.constant 0 : i32
        %dma_start3A_69 = tpu.memref_slice %arg7[%add3A_67, %dma_start3A_68] : memref<8x128xi32, #tpu.memory_space<vmem>> -> memref<1x128xi32, #tpu.memory_space<vmem>>
        %dma_start3A_70 = tpu.memref_squeeze %dma_start3A_69 : memref<1x128xi32, #tpu.memory_space<vmem>> -> memref<128xi32, #tpu.memory_space<vmem>>
        %dma_start3A_71 = arith.constant 0 : i32
        %dma_start3A_72 = arith.constant 0 : i32
        %dma_start3A_73 = tpu.memref_slice %arg2[%dma_start3A_71, %dma_start3A_72] : memref<10240x128xf32, #tpu.memory_space<hbm>> -> memref<10240x128xf32, #tpu.memory_space<hbm>>
        tpu.enqueue_indirect_dma source(%dma_start3A_73 : memref<10240x128xf32, #tpu.memory_space<hbm>>) target(%arg10 : memref<128x128xf32, #tpu.memory_space<vmem>>) offsets(%dma_start3A_70 : memref<128xi32, #tpu.memory_space<vmem>>) semaphore(%arg13 : memref<!tpu.dma_semaphore, #tpu.memory_space<semaphore_mem>>)
        %dma_wait3A = arith.constant 0 : i32
        %dma_wait3A_74 = arith.constant 0 : i32
        %dma_wait3A_75 = tpu.memref_slice %arg2[%dma_wait3A, %dma_wait3A_74] : memref<10240x128xf32, #tpu.memory_space<hbm>> -> memref<128x128xf32, #tpu.memory_space<hbm>>
        %dma_wait3A_76 = arith.constant 0 : i32
        %dma_wait3A_77 = arith.constant 0 : i32
        %dma_wait3A_78 = tpu.memref_slice %arg2[%dma_wait3A_76, %dma_wait3A_77] : memref<10240x128xf32, #tpu.memory_space<hbm>> -> memref<128x128xf32, #tpu.memory_space<hbm>>
        tpu.wait_dma2 semaphore(%arg12 : memref<!tpu.dma_semaphore, #tpu.memory_space<semaphore_mem>>) src(%dma_wait3A_78 : memref<128x128xf32, #tpu.memory_space<hbm>>) dst(%arg9 : memref<128x128xf32, #tpu.memory_space<vmem>>)
        "tpu.region"() ({
          %run_scoped3A = tpu.sem_alloc : memref<!tpu.dma_semaphore, #tpu.memory_space<semaphore_mem>>
          %dma_start3A_91 = arith.constant 0 : i32
          %dma_start3A_92 = tpu.memref_slice %arg8[%mul3A_65, %dma_start3A_91] : memref<8x128xi32, #tpu.memory_space<vmem>> -> memref<1x128xi32, #tpu.memory_space<vmem>>
          %dma_start3A_93 = tpu.memref_squeeze %dma_start3A_92 : memref<1x128xi32, #tpu.memory_space<vmem>> -> memref<128xi32, #tpu.memory_space<vmem>>
          %dma_start3A_94 = arith.constant 0 : i32
          %dma_start3A_95 = arith.constant 0 : i32
          %dma_start3A_96 = tpu.memref_slice %arg11[%dma_start3A_94, %dma_start3A_95] : memref<10240x128xf32, #tpu.memory_space<vmem_shared>> -> memref<10240x128xf32, #tpu.memory_space<vmem_shared>>
          tpu.enqueue_indirect_dma source(%arg9 : memref<128x128xf32, #tpu.memory_space<vmem>>) target(%dma_start3A_96 : memref<10240x128xf32, #tpu.memory_space<vmem_shared>>) offsets(%dma_start3A_93 : memref<128xi32, #tpu.memory_space<vmem>>) semaphore(%run_scoped3A : memref<!tpu.dma_semaphore, #tpu.memory_space<semaphore_mem>>) {add = true}
          %dma_wait3A_97 = arith.constant 0 : i32
          %dma_wait3A_98 = tpu.memref_slice %arg8[%mul3A_65, %dma_wait3A_97] : memref<8x128xi32, #tpu.memory_space<vmem>> -> memref<1x128xi32, #tpu.memory_space<vmem>>
          %dma_wait3A_99 = tpu.memref_squeeze %dma_wait3A_98 : memref<1x128xi32, #tpu.memory_space<vmem>> -> memref<128xi32, #tpu.memory_space<vmem>>
          %dma_wait3A_100 = arith.constant 0 : i32
          %dma_wait3A_101 = arith.constant 0 : i32
          %dma_wait3A_102 = tpu.memref_slice %arg11[%dma_wait3A_100, %dma_wait3A_101] : memref<10240x128xf32, #tpu.memory_space<vmem_shared>> -> memref<10240x128xf32, #tpu.memory_space<vmem_shared>>
          tpu.wait_indirect_dma semaphore(%run_scoped3A : memref<!tpu.dma_semaphore, #tpu.memory_space<semaphore_mem>>) src(%arg9 : memref<128x128xf32, #tpu.memory_space<vmem>>) dst(%dma_wait3A_102 : memref<10240x128xf32, #tpu.memory_space<vmem_shared>>)
          tpu.yield
        }) : () -> ()
        %add3A_79 = arith.constant 1 : i32
        %add3A_80 = arith.addi %scan3A_63, %add3A_79 : i32
        %lt3A = arith.constant 4 : i32
        %lt3A_81 = arith.cmpi slt, %add3A_80, %lt3A : i32
        %convert_element_type3A = arith.extui %lt3A_81 : i1 to i32
        %cond3A = arith.constant 0 : i32
        %cond3A_82 = arith.cmpi ne, %convert_element_type3A, %cond3A : i32
        scf.if %cond3A_82 {
          %add3A_91 = arith.constant 2 : i32
          %add3A_92 = arith.addi %mul3A_65, %add3A_91 : i32
          %dma_start3A_93 = arith.constant 0 : i32
          %dma_start3A_94 = tpu.memref_slice %arg7[%add3A_92, %dma_start3A_93] : memref<8x128xi32, #tpu.memory_space<vmem>> -> memref<1x128xi32, #tpu.memory_space<vmem>>
          %dma_start3A_95 = tpu.memref_squeeze %dma_start3A_94 : memref<1x128xi32, #tpu.memory_space<vmem>> -> memref<128xi32, #tpu.memory_space<vmem>>
          %dma_start3A_96 = arith.constant 0 : i32
          %dma_start3A_97 = arith.constant 0 : i32
          %dma_start3A_98 = tpu.memref_slice %arg2[%dma_start3A_96, %dma_start3A_97] : memref<10240x128xf32, #tpu.memory_space<hbm>> -> memref<10240x128xf32, #tpu.memory_space<hbm>>
          tpu.enqueue_indirect_dma source(%dma_start3A_98 : memref<10240x128xf32, #tpu.memory_space<hbm>>) target(%arg9 : memref<128x128xf32, #tpu.memory_space<vmem>>) offsets(%dma_start3A_95 : memref<128xi32, #tpu.memory_space<vmem>>) semaphore(%arg12 : memref<!tpu.dma_semaphore, #tpu.memory_space<semaphore_mem>>)
        } else {
        }
        %dma_wait3A_83 = arith.constant 0 : i32
        %dma_wait3A_84 = arith.constant 0 : i32
        %dma_wait3A_85 = tpu.memref_slice %arg2[%dma_wait3A_83, %dma_wait3A_84] : memref<10240x128xf32, #tpu.memory_space<hbm>> -> memref<128x128xf32, #tpu.memory_space<hbm>>
        %dma_wait3A_86 = arith.constant 0 : i32
        %dma_wait3A_87 = arith.constant 0 : i32
        %dma_wait3A_88 = tpu.memref_slice %arg2[%dma_wait3A_86, %dma_wait3A_87] : memref<10240x128xf32, #tpu.memory_space<hbm>> -> memref<128x128xf32, #tpu.memory_space<hbm>>
        tpu.wait_dma2 semaphore(%arg13 : memref<!tpu.dma_semaphore, #tpu.memory_space<semaphore_mem>>) src(%dma_wait3A_88 : memref<128x128xf32, #tpu.memory_space<hbm>>) dst(%arg10 : memref<128x128xf32, #tpu.memory_space<vmem>>)
        %add3A_89 = arith.constant 1 : i32
        %add3A_90 = arith.addi %mul3A_65, %add3A_89 : i32
        "tpu.region"() ({
          %run_scoped3A = tpu.sem_alloc : memref<!tpu.dma_semaphore, #tpu.memory_space<semaphore_mem>>
          %dma_start3A_91 = arith.constant 0 : i32
          %dma_start3A_92 = tpu.memref_slice %arg8[%add3A_90, %dma_start3A_91] : memref<8x128xi32, #tpu.memory_space<vmem>> -> memref<1x128xi32, #tpu.memory_space<vmem>>
          %dma_start3A_93 = tpu.memref_squeeze %dma_start3A_92 : memref<1x128xi32, #tpu.memory_space<vmem>> -> memref<128xi32, #tpu.memory_space<vmem>>
          %dma_start3A_94 = arith.constant 0 : i32
          %dma_start3A_95 = arith.constant 0 : i32
          %dma_start3A_96 = tpu.memref_slice %arg11[%dma_start3A_94, %dma_start3A_95] : memref<10240x128xf32, #tpu.memory_space<vmem_shared>> -> memref<10240x128xf32, #tpu.memory_space<vmem_shared>>
          tpu.enqueue_indirect_dma source(%arg10 : memref<128x128xf32, #tpu.memory_space<vmem>>) target(%dma_start3A_96 : memref<10240x128xf32, #tpu.memory_space<vmem_shared>>) offsets(%dma_start3A_93 : memref<128xi32, #tpu.memory_space<vmem>>) semaphore(%run_scoped3A : memref<!tpu.dma_semaphore, #tpu.memory_space<semaphore_mem>>) {add = true}
          %dma_wait3A_97 = arith.constant 0 : i32
          %dma_wait3A_98 = tpu.memref_slice %arg8[%add3A_90, %dma_wait3A_97] : memref<8x128xi32, #tpu.memory_space<vmem>> -> memref<1x128xi32, #tpu.memory_space<vmem>>
          %dma_wait3A_99 = tpu.memref_squeeze %dma_wait3A_98 : memref<1x128xi32, #tpu.memory_space<vmem>> -> memref<128xi32, #tpu.memory_space<vmem>>
          %dma_wait3A_100 = arith.constant 0 : i32
          %dma_wait3A_101 = arith.constant 0 : i32
          %dma_wait3A_102 = tpu.memref_slice %arg11[%dma_wait3A_100, %dma_wait3A_101] : memref<10240x128xf32, #tpu.memory_space<vmem_shared>> -> memref<10240x128xf32, #tpu.memory_space<vmem_shared>>
          tpu.wait_indirect_dma semaphore(%run_scoped3A : memref<!tpu.dma_semaphore, #tpu.memory_space<semaphore_mem>>) src(%arg10 : memref<128x128xf32, #tpu.memory_space<vmem>>) dst(%dma_wait3A_102 : memref<10240x128xf32, #tpu.memory_space<vmem_shared>>)
          tpu.yield
        }) : () -> ()
      }
      %scan3A_62 = arith.constant 4 : i32
    }
    %while3A_39 = arith.constant 1 : i32
    scf.for %while3A_47 = %while3A_37 to %while3A_33 step %while3A_39  : i32 {
      %mul3A_48 = arith.constant 8 : i32
      %mul3A_49 = arith.muli %while3A_47, %mul3A_48 : i32
      %add3A_50 = arith.addi %add3A, %mul3A_49 : i32
      "tpu.region"() ({
        %run_scoped3A = tpu.sem_alloc : memref<!tpu.dma_semaphore, #tpu.memory_space<semaphore_mem>>
        %dma_start3A_63 = arith.constant 0 : i32
        %dma_start3A_64 = tpu.memref_slice %arg3[%add3A_50, %dma_start3A_63] : memref<2560x128xi32, #tpu.memory_space<hbm>> -> memref<8x128xi32, #tpu.memory_space<hbm>>
        %dma_start3A_65 = arith.constant 0 : i32
        %dma_start3A_66 = tpu.memref_slice %arg3[%add3A_50, %dma_start3A_65] : memref<2560x128xi32, #tpu.memory_space<hbm>> -> memref<8x128xi32, #tpu.memory_space<hbm>>
        tpu.enqueue_dma source(%dma_start3A_66 : memref<8x128xi32, #tpu.memory_space<hbm>>) target(%arg7 : memref<8x128xi32, #tpu.memory_space<vmem>>) target_semaphore(%run_scoped3A : memref<!tpu.dma_semaphore, #tpu.memory_space<semaphore_mem>>)
        %dma_wait3A = arith.constant 0 : i32
        %dma_wait3A_67 = tpu.memref_slice %arg3[%add3A_50, %dma_wait3A] : memref<2560x128xi32, #tpu.memory_space<hbm>> -> memref<8x128xi32, #tpu.memory_space<hbm>>
        %dma_wait3A_68 = arith.constant 0 : i32
        %dma_wait3A_69 = tpu.memref_slice %arg3[%add3A_50, %dma_wait3A_68] : memref<2560x128xi32, #tpu.memory_space<hbm>> -> memref<8x128xi32, #tpu.memory_space<hbm>>
        tpu.wait_dma2 semaphore(%run_scoped3A : memref<!tpu.dma_semaphore, #tpu.memory_space<semaphore_mem>>) src(%dma_wait3A_69 : memref<8x128xi32, #tpu.memory_space<hbm>>) dst(%arg7 : memref<8x128xi32, #tpu.memory_space<vmem>>)
        tpu.yield
      }) : () -> ()
      "tpu.region"() ({
        %run_scoped3A = tpu.sem_alloc : memref<!tpu.dma_semaphore, #tpu.memory_space<semaphore_mem>>
        %dma_start3A_63 = arith.constant 0 : i32
        %dma_start3A_64 = tpu.memref_slice %arg4[%add3A_50, %dma_start3A_63] : memref<2560x128xi32, #tpu.memory_space<hbm>> -> memref<8x128xi32, #tpu.memory_space<hbm>>
        %dma_start3A_65 = arith.constant 0 : i32
        %dma_start3A_66 = tpu.memref_slice %arg4[%add3A_50, %dma_start3A_65] : memref<2560x128xi32, #tpu.memory_space<hbm>> -> memref<8x128xi32, #tpu.memory_space<hbm>>
        tpu.enqueue_dma source(%dma_start3A_66 : memref<8x128xi32, #tpu.memory_space<hbm>>) target(%arg8 : memref<8x128xi32, #tpu.memory_space<vmem>>) target_semaphore(%run_scoped3A : memref<!tpu.dma_semaphore, #tpu.memory_space<semaphore_mem>>)
        %dma_wait3A = arith.constant 0 : i32
        %dma_wait3A_67 = tpu.memref_slice %arg4[%add3A_50, %dma_wait3A] : memref<2560x128xi32, #tpu.memory_space<hbm>> -> memref<8x128xi32, #tpu.memory_space<hbm>>
        %dma_wait3A_68 = arith.constant 0 : i32
        %dma_wait3A_69 = tpu.memref_slice %arg4[%add3A_50, %dma_wait3A_68] : memref<2560x128xi32, #tpu.memory_space<hbm>> -> memref<8x128xi32, #tpu.memory_space<hbm>>
        tpu.wait_dma2 semaphore(%run_scoped3A : memref<!tpu.dma_semaphore, #tpu.memory_space<semaphore_mem>>) src(%dma_wait3A_69 : memref<8x128xi32, #tpu.memory_space<hbm>>) dst(%arg8 : memref<8x128xi32, #tpu.memory_space<vmem>>)
        tpu.yield
      }) : () -> ()
      %dma_start3A = arith.constant 0 : i32
      %dma_start3A_51 = arith.constant 0 : i32
      %dma_start3A_52 = tpu.memref_slice %arg7[%dma_start3A, %dma_start3A_51] : memref<8x128xi32, #tpu.memory_space<vmem>> -> memref<1x128xi32, #tpu.memory_space<vmem>>
      %dma_start3A_53 = tpu.memref_squeeze %dma_start3A_52 : memref<1x128xi32, #tpu.memory_space<vmem>> -> memref<128xi32, #tpu.memory_space<vmem>>
      %dma_start3A_54 = arith.constant 0 : i32
      %dma_start3A_55 = arith.constant 0 : i32
      %dma_start3A_56 = tpu.memref_slice %arg2[%dma_start3A_54, %dma_start3A_55] : memref<10240x128xf32, #tpu.memory_space<hbm>> -> memref<10240x128xf32, #tpu.memory_space<hbm>>
      tpu.enqueue_indirect_dma source(%dma_start3A_56 : memref<10240x128xf32, #tpu.memory_space<hbm>>) target(%arg9 : memref<128x128xf32, #tpu.memory_space<vmem>>) offsets(%dma_start3A_53 : memref<128xi32, #tpu.memory_space<vmem>>) semaphore(%arg12 : memref<!tpu.dma_semaphore, #tpu.memory_space<semaphore_mem>>)
      %scan3A_57 = arith.constant 0 : i32
      %scan3A_58 = arith.constant 0 : i32
      %scan3A_59 = arith.constant 4 : i32
      %scan3A_60 = arith.addi %scan3A_58, %scan3A_59 : i32
      %scan3A_61 = arith.constant 1 : i32
      scf.for %scan3A_63 = %scan3A_58 to %scan3A_60 step %scan3A_61  : i32 {
        %mul3A_64 = arith.constant 2 : i32
        %mul3A_65 = arith.muli %mul3A_64, %scan3A_63 : i32
        %add3A_66 = arith.constant 1 : i32
        %add3A_67 = arith.addi %mul3A_65, %add3A_66 : i32
        %dma_start3A_68 = arith.constant 0 : i32
        %dma_start3A_69 = tpu.memref_slice %arg7[%add3A_67, %dma_start3A_68] : memref<8x128xi32, #tpu.memory_space<vmem>> -> memref<1x128xi32, #tpu.memory_space<vmem>>
        %dma_start3A_70 = tpu.memref_squeeze %dma_start3A_69 : memref<1x128xi32, #tpu.memory_space<vmem>> -> memref<128xi32, #tpu.memory_space<vmem>>
        %dma_start3A_71 = arith.constant 0 : i32
        %dma_start3A_72 = arith.constant 0 : i32
        %dma_start3A_73 = tpu.memref_slice %arg2[%dma_start3A_71, %dma_start3A_72] : memref<10240x128xf32, #tpu.memory_space<hbm>> -> memref<10240x128xf32, #tpu.memory_space<hbm>>
        tpu.enqueue_indirect_dma source(%dma_start3A_73 : memref<10240x128xf32, #tpu.memory_space<hbm>>) target(%arg10 : memref<128x128xf32, #tpu.memory_space<vmem>>) offsets(%dma_start3A_70 : memref<128xi32, #tpu.memory_space<vmem>>) semaphore(%arg13 : memref<!tpu.dma_semaphore, #tpu.memory_space<semaphore_mem>>)
        %dma_wait3A = arith.constant 0 : i32
        %dma_wait3A_74 = arith.constant 0 : i32
        %dma_wait3A_75 = tpu.memref_slice %arg2[%dma_wait3A, %dma_wait3A_74] : memref<10240x128xf32, #tpu.memory_space<hbm>> -> memref<128x128xf32, #tpu.memory_space<hbm>>
        %dma_wait3A_76 = arith.constant 0 : i32
        %dma_wait3A_77 = arith.constant 0 : i32
        %dma_wait3A_78 = tpu.memref_slice %arg2[%dma_wait3A_76, %dma_wait3A_77] : memref<10240x128xf32, #tpu.memory_space<hbm>> -> memref<128x128xf32, #tpu.memory_space<hbm>>
        tpu.wait_dma2 semaphore(%arg12 : memref<!tpu.dma_semaphore, #tpu.memory_space<semaphore_mem>>) src(%dma_wait3A_78 : memref<128x128xf32, #tpu.memory_space<hbm>>) dst(%arg9 : memref<128x128xf32, #tpu.memory_space<vmem>>)
        "tpu.region"() ({
          %run_scoped3A = tpu.sem_alloc : memref<!tpu.dma_semaphore, #tpu.memory_space<semaphore_mem>>
          %dma_start3A_91 = arith.constant 0 : i32
          %dma_start3A_92 = tpu.memref_slice %arg8[%mul3A_65, %dma_start3A_91] : memref<8x128xi32, #tpu.memory_space<vmem>> -> memref<1x128xi32, #tpu.memory_space<vmem>>
          %dma_start3A_93 = tpu.memref_squeeze %dma_start3A_92 : memref<1x128xi32, #tpu.memory_space<vmem>> -> memref<128xi32, #tpu.memory_space<vmem>>
          %dma_start3A_94 = arith.constant 0 : i32
          %dma_start3A_95 = arith.constant 0 : i32
          %dma_start3A_96 = tpu.memref_slice %arg11[%dma_start3A_94, %dma_start3A_95] : memref<10240x128xf32, #tpu.memory_space<vmem_shared>> -> memref<10240x128xf32, #tpu.memory_space<vmem_shared>>
          tpu.enqueue_indirect_dma source(%arg9 : memref<128x128xf32, #tpu.memory_space<vmem>>) target(%dma_start3A_96 : memref<10240x128xf32, #tpu.memory_space<vmem_shared>>) offsets(%dma_start3A_93 : memref<128xi32, #tpu.memory_space<vmem>>) semaphore(%run_scoped3A : memref<!tpu.dma_semaphore, #tpu.memory_space<semaphore_mem>>) {add = true}
          %dma_wait3A_97 = arith.constant 0 : i32
          %dma_wait3A_98 = tpu.memref_slice %arg8[%mul3A_65, %dma_wait3A_97] : memref<8x128xi32, #tpu.memory_space<vmem>> -> memref<1x128xi32, #tpu.memory_space<vmem>>
          %dma_wait3A_99 = tpu.memref_squeeze %dma_wait3A_98 : memref<1x128xi32, #tpu.memory_space<vmem>> -> memref<128xi32, #tpu.memory_space<vmem>>
          %dma_wait3A_100 = arith.constant 0 : i32
          %dma_wait3A_101 = arith.constant 0 : i32
          %dma_wait3A_102 = tpu.memref_slice %arg11[%dma_wait3A_100, %dma_wait3A_101] : memref<10240x128xf32, #tpu.memory_space<vmem_shared>> -> memref<10240x128xf32, #tpu.memory_space<vmem_shared>>
          tpu.wait_indirect_dma semaphore(%run_scoped3A : memref<!tpu.dma_semaphore, #tpu.memory_space<semaphore_mem>>) src(%arg9 : memref<128x128xf32, #tpu.memory_space<vmem>>) dst(%dma_wait3A_102 : memref<10240x128xf32, #tpu.memory_space<vmem_shared>>)
          tpu.yield
        }) : () -> ()
        %add3A_79 = arith.constant 1 : i32
        %add3A_80 = arith.addi %scan3A_63, %add3A_79 : i32
        %lt3A = arith.constant 4 : i32
        %lt3A_81 = arith.cmpi slt, %add3A_80, %lt3A : i32
        %convert_element_type3A = arith.extui %lt3A_81 : i1 to i32
        %cond3A = arith.constant 0 : i32
        %cond3A_82 = arith.cmpi ne, %convert_element_type3A, %cond3A : i32
        scf.if %cond3A_82 {
          %add3A_91 = arith.constant 2 : i32
          %add3A_92 = arith.addi %mul3A_65, %add3A_91 : i32
          %dma_start3A_93 = arith.constant 0 : i32
          %dma_start3A_94 = tpu.memref_slice %arg7[%add3A_92, %dma_start3A_93] : memref<8x128xi32, #tpu.memory_space<vmem>> -> memref<1x128xi32, #tpu.memory_space<vmem>>
          %dma_start3A_95 = tpu.memref_squeeze %dma_start3A_94 : memref<1x128xi32, #tpu.memory_space<vmem>> -> memref<128xi32, #tpu.memory_space<vmem>>
          %dma_start3A_96 = arith.constant 0 : i32
          %dma_start3A_97 = arith.constant 0 : i32
          %dma_start3A_98 = tpu.memref_slice %arg2[%dma_start3A_96, %dma_start3A_97] : memref<10240x128xf32, #tpu.memory_space<hbm>> -> memref<10240x128xf32, #tpu.memory_space<hbm>>
          tpu.enqueue_indirect_dma source(%dma_start3A_98 : memref<10240x128xf32, #tpu.memory_space<hbm>>) target(%arg9 : memref<128x128xf32, #tpu.memory_space<vmem>>) offsets(%dma_start3A_95 : memref<128xi32, #tpu.memory_space<vmem>>) semaphore(%arg12 : memref<!tpu.dma_semaphore, #tpu.memory_space<semaphore_mem>>)
        } else {
        }
        %dma_wait3A_83 = arith.constant 0 : i32
        %dma_wait3A_84 = arith.constant 0 : i32
        %dma_wait3A_85 = tpu.memref_slice %arg2[%dma_wait3A_83, %dma_wait3A_84] : memref<10240x128xf32, #tpu.memory_space<hbm>> -> memref<128x128xf32, #tpu.memory_space<hbm>>
        %dma_wait3A_86 = arith.constant 0 : i32
        %dma_wait3A_87 = arith.constant 0 : i32
        %dma_wait3A_88 = tpu.memref_slice %arg2[%dma_wait3A_86, %dma_wait3A_87] : memref<10240x128xf32, #tpu.memory_space<hbm>> -> memref<128x128xf32, #tpu.memory_space<hbm>>
        tpu.wait_dma2 semaphore(%arg13 : memref<!tpu.dma_semaphore, #tpu.memory_space<semaphore_mem>>) src(%dma_wait3A_88 : memref<128x128xf32, #tpu.memory_space<hbm>>) dst(%arg10 : memref<128x128xf32, #tpu.memory_space<vmem>>)
        %add3A_89 = arith.constant 1 : i32
        %add3A_90 = arith.addi %mul3A_65, %add3A_89 : i32
        "tpu.region"() ({
          %run_scoped3A = tpu.sem_alloc : memref<!tpu.dma_semaphore, #tpu.memory_space<semaphore_mem>>
          %dma_start3A_91 = arith.constant 0 : i32
          %dma_start3A_92 = tpu.memref_slice %arg8[%add3A_90, %dma_start3A_91] : memref<8x128xi32, #tpu.memory_space<vmem>> -> memref<1x128xi32, #tpu.memory_space<vmem>>
          %dma_start3A_93 = tpu.memref_squeeze %dma_start3A_92 : memref<1x128xi32, #tpu.memory_space<vmem>> -> memref<128xi32, #tpu.memory_space<vmem>>
          %dma_start3A_94 = arith.constant 0 : i32
          %dma_start3A_95 = arith.constant 0 : i32
          %dma_start3A_96 = tpu.memref_slice %arg11[%dma_start3A_94, %dma_start3A_95] : memref<10240x128xf32, #tpu.memory_space<vmem_shared>> -> memref<10240x128xf32, #tpu.memory_space<vmem_shared>>
          tpu.enqueue_indirect_dma source(%arg10 : memref<128x128xf32, #tpu.memory_space<vmem>>) target(%dma_start3A_96 : memref<10240x128xf32, #tpu.memory_space<vmem_shared>>) offsets(%dma_start3A_93 : memref<128xi32, #tpu.memory_space<vmem>>) semaphore(%run_scoped3A : memref<!tpu.dma_semaphore, #tpu.memory_space<semaphore_mem>>) {add = true}
          %dma_wait3A_97 = arith.constant 0 : i32
          %dma_wait3A_98 = tpu.memref_slice %arg8[%add3A_90, %dma_wait3A_97] : memref<8x128xi32, #tpu.memory_space<vmem>> -> memref<1x128xi32, #tpu.memory_space<vmem>>
          %dma_wait3A_99 = tpu.memref_squeeze %dma_wait3A_98 : memref<1x128xi32, #tpu.memory_space<vmem>> -> memref<128xi32, #tpu.memory_space<vmem>>
          %dma_wait3A_100 = arith.constant 0 : i32
          %dma_wait3A_101 = arith.constant 0 : i32
          %dma_wait3A_102 = tpu.memref_slice %arg11[%dma_wait3A_100, %dma_wait3A_101] : memref<10240x128xf32, #tpu.memory_space<vmem_shared>> -> memref<10240x128xf32, #tpu.memory_space<vmem_shared>>
          tpu.wait_indirect_dma semaphore(%run_scoped3A : memref<!tpu.dma_semaphore, #tpu.memory_space<semaphore_mem>>) src(%arg10 : memref<128x128xf32, #tpu.memory_space<vmem>>) dst(%dma_wait3A_102 : memref<10240x128xf32, #tpu.memory_space<vmem_shared>>)
          tpu.yield
        }) : () -> ()
      }
      %scan3A_62 = arith.constant 4 : i32
    }
    %barrier3A_40 = arith.constant 0 : index
    tpu.barrier barrier_id(%barrier3A_40)
    %scan3A_41 = arith.constant 0 : i32
    %scan3A_42 = arith.constant 0 : i32
    %scan3A_43 = arith.constant 5 : i32
    %scan3A_44 = arith.addi %scan3A_42, %scan3A_43 : i32
    %scan3A_45 = arith.constant 1 : i32
    scf.for %scan3A_47 = %scan3A_42 to %scan3A_44 step %scan3A_45  : i32 {
      %mul3A_48 = arith.constant 128 : i32
      %mul3A_49 = arith.muli %scan3A_47, %mul3A_48 : i32
      %add3A_50 = arith.addi %mul3A_0, %mul3A_49 : i32
      "tpu.region"() ({
        %run_scoped3A = tpu.sem_alloc : memref<!tpu.dma_semaphore, #tpu.memory_space<semaphore_mem>>
        %dma_start3A = arith.constant 0 : i32
        %dma_start3A_57 = tpu.memref_slice %arg11[%add3A_50, %dma_start3A] : memref<10240x128xf32, #tpu.memory_space<vmem_shared>> -> memref<128x128xf32, #tpu.memory_space<vmem_shared>>
        %dma_start3A_58 = arith.constant 0 : i32
        %dma_start3A_59 = tpu.memref_slice %arg11[%add3A_50, %dma_start3A_58] : memref<10240x128xf32, #tpu.memory_space<vmem_shared>> -> memref<128x128xf32, #tpu.memory_space<vmem_shared>>
        tpu.enqueue_dma source(%dma_start3A_59 : memref<128x128xf32, #tpu.memory_space<vmem_shared>>) target(%arg9 : memref<128x128xf32, #tpu.memory_space<vmem>>) target_semaphore(%run_scoped3A : memref<!tpu.dma_semaphore, #tpu.memory_space<semaphore_mem>>)
        %dma_wait3A = arith.constant 0 : i32
        %dma_wait3A_60 = tpu.memref_slice %arg11[%add3A_50, %dma_wait3A] : memref<10240x128xf32, #tpu.memory_space<vmem_shared>> -> memref<128x128xf32, #tpu.memory_space<vmem_shared>>
        %dma_wait3A_61 = arith.constant 0 : i32
        %dma_wait3A_62 = tpu.memref_slice %arg11[%add3A_50, %dma_wait3A_61] : memref<10240x128xf32, #tpu.memory_space<vmem_shared>> -> memref<128x128xf32, #tpu.memory_space<vmem_shared>>
        tpu.wait_dma2 semaphore(%run_scoped3A : memref<!tpu.dma_semaphore, #tpu.memory_space<semaphore_mem>>) src(%dma_wait3A_62 : memref<128x128xf32, #tpu.memory_space<vmem_shared>>) dst(%arg9 : memref<128x128xf32, #tpu.memory_space<vmem>>)
        tpu.yield
      }) : () -> ()
      %mul3A_51 = arith.constant 10240 : i32
      %mul3A_52 = arith.muli %arg0, %mul3A_51 : i32
      %add3A_53 = arith.addi %mul3A_52, %mul3A_0 : i32
      %mul3A_54 = arith.constant 128 : i32
      %mul3A_55 = arith.muli %scan3A_47, %mul3A_54 : i32
      %add3A_56 = arith.addi %add3A_53, %mul3A_55 : i32
      "tpu.region"() ({
        %run_scoped3A = tpu.sem_alloc : memref<!tpu.dma_semaphore, #tpu.memory_space<semaphore_mem>>
        %dma_start3A = arith.constant 0 : i32
        %dma_start3A_57 = tpu.memref_slice %arg6[%add3A_56, %dma_start3A] : memref<20480x128xf32, #tpu.memory_space<hbm>> -> memref<128x128xf32, #tpu.memory_space<hbm>>
        %dma_start3A_58 = arith.constant 0 : i32
        %dma_start3A_59 = tpu.memref_slice %arg6[%add3A_56, %dma_start3A_58] : memref<20480x128xf32, #tpu.memory_space<hbm>> -> memref<128x128xf32, #tpu.memory_space<hbm>>
        tpu.enqueue_dma source(%arg9 : memref<128x128xf32, #tpu.memory_space<vmem>>) target(%dma_start3A_59 : memref<128x128xf32, #tpu.memory_space<hbm>>) target_semaphore(%run_scoped3A : memref<!tpu.dma_semaphore, #tpu.memory_space<semaphore_mem>>)
        %dma_wait3A = arith.constant 0 : i32
        %dma_wait3A_60 = tpu.memref_slice %arg6[%add3A_56, %dma_wait3A] : memref<20480x128xf32, #tpu.memory_space<hbm>> -> memref<128x128xf32, #tpu.memory_space<hbm>>
        %dma_wait3A_61 = arith.constant 0 : i32
        %dma_wait3A_62 = tpu.memref_slice %arg6[%add3A_56, %dma_wait3A_61] : memref<20480x128xf32, #tpu.memory_space<hbm>> -> memref<128x128xf32, #tpu.memory_space<hbm>>
        tpu.wait_dma2 semaphore(%run_scoped3A : memref<!tpu.dma_semaphore, #tpu.memory_space<semaphore_mem>>) src(%arg9 : memref<128x128xf32, #tpu.memory_space<vmem>>) dst(%dma_wait3A_62 : memref<128x128xf32, #tpu.memory_space<hbm>>)
        tpu.yield
      }) : () -> ()
    }
    %scan3A_46 = arith.constant 5 : i32
    return
  }
}

module attributes {stable_mosaic.version = 14 : i64} {
  func.func @_tc_dinv_body(%arg0: memref<2x80x128xf32, #tpu.memory_space<vmem>>, %arg1: memref<80x128xf32, #tpu.memory_space<vmem>>) attributes {dimension_semantics = [], scalar_prefetch = 0 : i64, scratch_operands = 0 : i64, tpu.core_type = #tpu.core_type<tc>} {
    %get3A = arith.constant 0 : index
    %get3A_0 = arith.constant 0 : index
    %get3A_1 = arith.constant 0 : index
    %get3A_2 = vector.load %arg0[%get3A, %get3A_0, %get3A_1] : memref<2x80x128xf32, #tpu.memory_space<vmem>>, vector<1x80x128xf32>
    %get3A_3 = vector.shape_cast %get3A_2 : vector<1x80x128xf32> to vector<80x128xf32>
    %get3A_4 = arith.constant 1 : index
    %get3A_5 = arith.constant 0 : index
    %get3A_6 = arith.constant 0 : index
    %get3A_7 = vector.load %arg0[%get3A_4, %get3A_5, %get3A_6] : memref<2x80x128xf32, #tpu.memory_space<vmem>>, vector<1x80x128xf32>
    %get3A_8 = vector.shape_cast %get3A_7 : vector<1x80x128xf32> to vector<80x128xf32>
    %add3A = arith.addf %get3A_3, %get3A_8 : vector<80x128xf32>
    %add3A_9 = arith.constant 1.000000e+00 : f32
    %add3A_10 = vector.broadcast %add3A_9 : f32 to vector<80x128xf32>
    %add3A_11 = arith.addf %add3A, %add3A_10 : vector<80x128xf32>
    %gt3A = arith.constant 0.000000e+00 : f32
    %gt3A_12 = vector.broadcast %gt3A : f32 to vector<80x128xf32>
    %gt3A_13 = arith.cmpf ogt, %add3A_11, %gt3A_12 : vector<80x128xf32>
    %rsqrt3A = math.rsqrt %add3A_11 : vector<80x128xf32>
    %jit3A = arith.constant 0.000000e+00 : f32
    %broadcast_in_dim3A = vector.broadcast %jit3A : f32 to vector<80x128xf32>
    %select_n3A = arith.select %gt3A_13, %rsqrt3A, %broadcast_in_dim3A : vector<80x128xi1>, vector<80x128xf32>
    %swap3A = arith.constant 0 : index
    %swap3A_14 = arith.constant 0 : index
    %swap3A_15 = vector.load %arg1[%swap3A, %swap3A_14] : memref<80x128xf32, #tpu.memory_space<vmem>>, vector<80x128xf32>
    tpu.vector_store %arg1[%swap3A, %swap3A_14], %select_n3A {strides = array<i32>} : memref<80x128xf32, #tpu.memory_space<vmem>>, vector<80x128xf32>,
    return
  }
}

module attributes {stable_mosaic.version = 14 : i64} {
  func.func @_tc_mm_body(%arg0: i32, %arg1: memref<512x128xf32, #tpu.memory_space<vmem>>, %arg2: memref<128x128xf32, #tpu.memory_space<vmem>>, %arg3: memref<512x1xf32, #tpu.memory_space<vmem>>, %arg4: memref<512x128xf32, #tpu.memory_space<vmem>>) attributes {dimension_semantics = [#tpu.dimension_semantics<arbitrary>], iteration_bounds = array<i64: 20>, scalar_prefetch = 0 : i64, scratch_operands = 0 : i64, tpu.core_type = #tpu.core_type<tc>, window_params = [{transform_indices = @transform_0, window_bounds = array<i64: 512, 128>}, {pipeline_mode = #tpu.pipeline_mode<synchronous>, transform_indices = @transform_1, window_bounds = array<i64: 128, 128>}, {transform_indices = @transform_2, window_bounds = array<i64: 512, 1>}, {transform_indices = @transform_3, window_bounds = array<i64: 512, 128>}]} {
    %get3A = arith.constant 0 : index
    %get3A_0 = arith.constant 0 : index
    %get3A_1 = vector.load %arg1[%get3A, %get3A_0] : memref<512x128xf32, #tpu.memory_space<vmem>>, vector<512x128xf32>
    %get3A_2 = arith.constant 0 : index
    %get3A_3 = arith.constant 0 : index
    %get3A_4 = vector.load %arg2[%get3A_2, %get3A_3] : memref<128x128xf32, #tpu.memory_space<vmem>>, vector<128x128xf32>
    %dot_general3A = arith.constant dense<0.000000e+00> : vector<512x128xf32>
    %dot_general3A_5 = tpu.matmul %get3A_1, %get3A_4, %dot_general3A {dimension_numbers = #tpu.dot_dimension_numbers<[1], [0], [0], [1], [0, 0, 1, 1], [], []>, transpose_lhs_hint = false} : vector<512x128xf32>, vector<128x128xf32>, vector<512x128xf32> -> vector<512x128xf32>
    %get3A_6 = arith.constant 0 : index
    %get3A_7 = arith.constant 0 : index
    %get3A_8 = vector.load %arg3[%get3A_6, %get3A_7] : memref<512x1xf32, #tpu.memory_space<vmem>>, vector<512x1xf32>
    %mul3A = vector.broadcast %get3A_8 : vector<512x1xf32> to vector<512x128xf32>
    %mul3A_9 = arith.mulf %mul3A, %dot_general3A_5 : vector<512x128xf32>
    %swap3A = arith.constant 0 : index
    %swap3A_10 = arith.constant 0 : index
    %swap3A_11 = vector.load %arg4[%swap3A, %swap3A_10] : memref<512x128xf32, #tpu.memory_space<vmem>>, vector<512x128xf32>
    tpu.vector_store %arg4[%swap3A, %swap3A_10], %mul3A_9 {strides = array<i32>} : memref<512x128xf32, #tpu.memory_space<vmem>>, vector<512x128xf32>,
    return
  }
  func.func @transform_0(%arg0: i32) -> (i32, i32) {
    %c0_i32 = arith.constant 0 : i32
    %c0_i32_0 = arith.constant 0 : i32
    return %arg0, %c0_i32 : i32, i32
  }
  func.func @transform_1(%arg0: i32) -> (i32, i32) {
    %c0_i32 = arith.constant 0 : i32
    %c0_i32_0 = arith.constant 0 : i32
    %c0_i32_1 = arith.constant 0 : i32
    return %c0_i32, %c0_i32_0 : i32, i32
  }
  func.func @transform_2(%arg0: i32) -> (i32, i32) {
    %c0_i32 = arith.constant 0 : i32
    %c0_i32_0 = arith.constant 0 : i32
    return %arg0, %c0_i32 : i32, i32
  }
  func.func @transform_3(%arg0: i32) -> (i32, i32) {
    %c0_i32 = arith.constant 0 : i32
    %c0_i32_0 = arith.constant 0 : i32
    return %arg0, %c0_i32 : i32, i32
  }
}

module attributes {stable_mosaic.version = 14 : i64} {
  func.func @_tc_combine_mm_body(%arg0: i32, %arg1: memref<2x512x128xf32, #tpu.memory_space<vmem>>, %arg2: memref<512x128xf32, #tpu.memory_space<vmem>>, %arg3: memref<512x1xf32, #tpu.memory_space<vmem>>, %arg4: memref<1x128xf32, #tpu.memory_space<vmem>>, %arg5: memref<128x128xf32, #tpu.memory_space<vmem>>, %arg6: memref<512x128xf32, #tpu.memory_space<vmem>>) attributes {dimension_semantics = [#tpu.dimension_semantics<arbitrary>], iteration_bounds = array<i64: 20>, scalar_prefetch = 0 : i64, scratch_operands = 0 : i64, tpu.core_type = #tpu.core_type<tc>, window_params = [{transform_indices = @transform_0, window_bounds = array<i64: 2, 512, 128>}, {transform_indices = @transform_1, window_bounds = array<i64: 512, 128>}, {transform_indices = @transform_2, window_bounds = array<i64: 512, 1>}, {pipeline_mode = #tpu.pipeline_mode<synchronous>, transform_indices = @transform_3, window_bounds = array<i64: 1, 128>}, {pipeline_mode = #tpu.pipeline_mode<synchronous>, transform_indices = @transform_4, window_bounds = array<i64: 128, 128>}, {transform_indices = @transform_5, window_bounds = array<i64: 512, 128>}]} {
    %get3A = arith.constant 0 : index
    %get3A_0 = arith.constant 0 : index
    %get3A_1 = vector.load %arg3[%get3A, %get3A_0] : memref<512x1xf32, #tpu.memory_space<vmem>>, vector<512x1xf32>
    %get3A_2 = arith.constant 0 : index
    %get3A_3 = arith.constant 0 : index
    %get3A_4 = arith.constant 0 : index
    %get3A_5 = vector.load %arg1[%get3A_2, %get3A_3, %get3A_4] : memref<2x512x128xf32, #tpu.memory_space<vmem>>, vector<1x512x128xf32>
    %get3A_6 = vector.shape_cast %get3A_5 : vector<1x512x128xf32> to vector<512x128xf32>
    %get3A_7 = arith.constant 1 : index
    %get3A_8 = arith.constant 0 : index
    %get3A_9 = arith.constant 0 : index
    %get3A_10 = vector.load %arg1[%get3A_7, %get3A_8, %get3A_9] : memref<2x512x128xf32, #tpu.memory_space<vmem>>, vector<1x512x128xf32>
    %get3A_11 = vector.shape_cast %get3A_10 : vector<1x512x128xf32> to vector<512x128xf32>
    %add3A = arith.addf %get3A_6, %get3A_11 : vector<512x128xf32>
    %get3A_12 = arith.constant 0 : index
    %get3A_13 = arith.constant 0 : index
    %get3A_14 = vector.load %arg2[%get3A_12, %get3A_13] : memref<512x128xf32, #tpu.memory_space<vmem>>, vector<512x128xf32>
    %add3A_15 = arith.addf %add3A, %get3A_14 : vector<512x128xf32>
    %mul3A = vector.broadcast %get3A_1 : vector<512x1xf32> to vector<512x128xf32>
    %mul3A_16 = arith.mulf %mul3A, %add3A_15 : vector<512x128xf32>
    %get3A_17 = arith.constant 0 : index
    %get3A_18 = arith.constant 0 : index
    %get3A_19 = vector.load %arg4[%get3A_17, %get3A_18] : memref<1x128xf32, #tpu.memory_space<vmem>>, vector<1x128xf32>
    %add3A_20 = vector.broadcast %get3A_19 : vector<1x128xf32> to vector<512x128xf32>
    %add3A_21 = arith.addf %mul3A_16, %add3A_20 : vector<512x128xf32>
    %max3A = arith.constant 0.000000e+00 : f32
    %max3A_22 = vector.broadcast %max3A : f32 to vector<512x128xf32>
    %max3A_23 = arith.maximumf %add3A_21, %max3A_22 : vector<512x128xf32>
    %get3A_24 = arith.constant 0 : index
    %get3A_25 = arith.constant 0 : index
    %get3A_26 = vector.load %arg3[%get3A_24, %get3A_25] : memref<512x1xf32, #tpu.memory_space<vmem>>, vector<512x1xf32>
    %get3A_27 = arith.constant 0 : index
    %get3A_28 = arith.constant 0 : index
    %get3A_29 = vector.load %arg5[%get3A_27, %get3A_28] : memref<128x128xf32, #tpu.memory_space<vmem>>, vector<128x128xf32>
    %dot_general3A = arith.constant dense<0.000000e+00> : vector<512x128xf32>
    %dot_general3A_30 = tpu.matmul %max3A_23, %get3A_29, %dot_general3A {dimension_numbers = #tpu.dot_dimension_numbers<[1], [0], [0], [1], [0, 0, 1, 1], [], []>, transpose_lhs_hint = false} : vector<512x128xf32>, vector<128x128xf32>, vector<512x128xf32> -> vector<512x128xf32>
    %mul3A_31 = vector.broadcast %get3A_26 : vector<512x1xf32> to vector<512x128xf32>
    %mul3A_32 = arith.mulf %mul3A_31, %dot_general3A_30 : vector<512x128xf32>
    %swap3A = arith.constant 0 : index
    %swap3A_33 = arith.constant 0 : index
    %swap3A_34 = vector.load %arg6[%swap3A, %swap3A_33] : memref<512x128xf32, #tpu.memory_space<vmem>>, vector<512x128xf32>
    tpu.vector_store %arg6[%swap3A, %swap3A_33], %mul3A_32 {strides = array<i32>} : memref<512x128xf32, #tpu.memory_space<vmem>>, vector<512x128xf32>,
    return
  }
  func.func @transform_0(%arg0: i32) -> (i32, i32, i32) {
    %c0_i32 = arith.constant 0 : i32
    %c0_i32_0 = arith.constant 0 : i32
    %c0_i32_1 = arith.constant 0 : i32
    return %c0_i32, %arg0, %c0_i32_0 : i32, i32, i32
  }
  func.func @transform_1(%arg0: i32) -> (i32, i32) {
    %c0_i32 = arith.constant 0 : i32
    %c0_i32_0 = arith.constant 0 : i32
    return %arg0, %c0_i32 : i32, i32
  }
  func.func @transform_2(%arg0: i32) -> (i32, i32) {
    %c0_i32 = arith.constant 0 : i32
    %c0_i32_0 = arith.constant 0 : i32
    return %arg0, %c0_i32 : i32, i32
  }
  func.func @transform_3(%arg0: i32) -> (i32, i32) {
    %c0_i32 = arith.constant 0 : i32
    %c0_i32_0 = arith.constant 0 : i32
    %c0_i32_1 = arith.constant 0 : i32
    return %c0_i32, %c0_i32_0 : i32, i32
  }
  func.func @transform_4(%arg0: i32) -> (i32, i32) {
    %c0_i32 = arith.constant 0 : i32
    %c0_i32_0 = arith.constant 0 : i32
    %c0_i32_1 = arith.constant 0 : i32
    return %c0_i32, %c0_i32_0 : i32, i32
  }
  func.func @transform_5(%arg0: i32) -> (i32, i32) {
    %c0_i32 = arith.constant 0 : i32
    %c0_i32_0 = arith.constant 0 : i32
    return %arg0, %c0_i32 : i32, i32
  }
}

module attributes {stable_mosaic.version = 14 : i64} {
  func.func @_tc_final_body(%arg0: i32, %arg1: memref<2x512x128xf32, #tpu.memory_space<vmem>>, %arg2: memref<512x128xf32, #tpu.memory_space<vmem>>, %arg3: memref<512x1xf32, #tpu.memory_space<vmem>>, %arg4: memref<1x128xf32, #tpu.memory_space<vmem>>, %arg5: memref<128x1xf32, #tpu.memory_space<vmem>>, %arg6: memref<1x8xf32, #tpu.memory_space<vmem>>, %arg7: memref<512x8xf32, #tpu.memory_space<vmem>>) attributes {dimension_semantics = [#tpu.dimension_semantics<arbitrary>], iteration_bounds = array<i64: 20>, scalar_prefetch = 0 : i64, scratch_operands = 0 : i64, tpu.core_type = #tpu.core_type<tc>, window_params = [{transform_indices = @transform_0, window_bounds = array<i64: 2, 512, 128>}, {transform_indices = @transform_1, window_bounds = array<i64: 512, 128>}, {transform_indices = @transform_2, window_bounds = array<i64: 512, 1>}, {pipeline_mode = #tpu.pipeline_mode<synchronous>, transform_indices = @transform_3, window_bounds = array<i64: 1, 128>}, {pipeline_mode = #tpu.pipeline_mode<synchronous>, transform_indices = @transform_4, window_bounds = array<i64: 128, 1>}, {pipeline_mode = #tpu.pipeline_mode<synchronous>, transform_indices = @transform_5, window_bounds = array<i64: 1, 8>}, {transform_indices = @transform_6, window_bounds = array<i64: 512, 8>}]} {
    %get3A = arith.constant 0 : index
    %get3A_0 = arith.constant 0 : index
    %get3A_1 = vector.load %arg3[%get3A, %get3A_0] : memref<512x1xf32, #tpu.memory_space<vmem>>, vector<512x1xf32>
    %get3A_2 = arith.constant 0 : index
    %get3A_3 = arith.constant 0 : index
    %get3A_4 = arith.constant 0 : index
    %get3A_5 = vector.load %arg1[%get3A_2, %get3A_3, %get3A_4] : memref<2x512x128xf32, #tpu.memory_space<vmem>>, vector<1x512x128xf32>
    %get3A_6 = vector.shape_cast %get3A_5 : vector<1x512x128xf32> to vector<512x128xf32>
    %get3A_7 = arith.constant 1 : index
    %get3A_8 = arith.constant 0 : index
    %get3A_9 = arith.constant 0 : index
    %get3A_10 = vector.load %arg1[%get3A_7, %get3A_8, %get3A_9] : memref<2x512x128xf32, #tpu.memory_space<vmem>>, vector<1x512x128xf32>
    %get3A_11 = vector.shape_cast %get3A_10 : vector<1x512x128xf32> to vector<512x128xf32>
    %add3A = arith.addf %get3A_6, %get3A_11 : vector<512x128xf32>
    %get3A_12 = arith.constant 0 : index
    %get3A_13 = arith.constant 0 : index
    %get3A_14 = vector.load %arg2[%get3A_12, %get3A_13] : memref<512x128xf32, #tpu.memory_space<vmem>>, vector<512x128xf32>
    %add3A_15 = arith.addf %add3A, %get3A_14 : vector<512x128xf32>
    %mul3A = vector.broadcast %get3A_1 : vector<512x1xf32> to vector<512x128xf32>
    %mul3A_16 = arith.mulf %mul3A, %add3A_15 : vector<512x128xf32>
    %get3A_17 = arith.constant 0 : index
    %get3A_18 = arith.constant 0 : index
    %get3A_19 = vector.load %arg4[%get3A_17, %get3A_18] : memref<1x128xf32, #tpu.memory_space<vmem>>, vector<1x128xf32>
    %add3A_20 = vector.broadcast %get3A_19 : vector<1x128xf32> to vector<512x128xf32>
    %add3A_21 = arith.addf %mul3A_16, %add3A_20 : vector<512x128xf32>
    %max3A = arith.constant 0.000000e+00 : f32
    %max3A_22 = vector.broadcast %max3A : f32 to vector<512x128xf32>
    %max3A_23 = arith.maximumf %add3A_21, %max3A_22 : vector<512x128xf32>
    %get3A_24 = arith.constant 0 : index
    %get3A_25 = arith.constant 0 : index
    %get3A_26 = vector.load %arg5[%get3A_24, %get3A_25] : memref<128x1xf32, #tpu.memory_space<vmem>>, vector<128x1xf32>
    %dot_general3A = arith.constant dense<0.000000e+00> : vector<512x1xf32>
    %dot_general3A_27 = tpu.matmul %max3A_23, %get3A_26, %dot_general3A {dimension_numbers = #tpu.dot_dimension_numbers<[1], [0], [0], [1], [0, 0, 1, 1], [], []>, transpose_lhs_hint = false} : vector<512x128xf32>, vector<128x1xf32>, vector<512x1xf32> -> vector<512x1xf32>
    %get3A_28 = arith.constant 0 : index
    %get3A_29 = arith.constant 0 : index
    %get3A_30 = vector.load %arg6[%get3A_28, %get3A_29] : memref<1x8xf32, #tpu.memory_space<vmem>>, vector<1x8xf32>
    %add3A_31 = vector.broadcast %dot_general3A_27 : vector<512x1xf32> to vector<512x8xf32>
    %add3A_32 = vector.broadcast %get3A_30 : vector<1x8xf32> to vector<512x8xf32>
    %add3A_33 = arith.addf %add3A_31, %add3A_32 : vector<512x8xf32>
    %swap3A = arith.constant 0 : index
    %swap3A_34 = arith.constant 0 : index
    %swap3A_35 = vector.load %arg7[%swap3A, %swap3A_34] : memref<512x8xf32, #tpu.memory_space<vmem>>, vector<512x8xf32>
    tpu.vector_store %arg7[%swap3A, %swap3A_34], %add3A_33 {strides = array<i32>} : memref<512x8xf32, #tpu.memory_space<vmem>>, vector<512x8xf32>,
    return
  }
  func.func @transform_0(%arg0: i32) -> (i32, i32, i32) {
    %c0_i32 = arith.constant 0 : i32
    %c0_i32_0 = arith.constant 0 : i32
    %c0_i32_1 = arith.constant 0 : i32
    return %c0_i32, %arg0, %c0_i32_0 : i32, i32, i32
  }
  func.func @transform_1(%arg0: i32) -> (i32, i32) {
    %c0_i32 = arith.constant 0 : i32
    %c0_i32_0 = arith.constant 0 : i32
    return %arg0, %c0_i32 : i32, i32
  }
  func.func @transform_2(%arg0: i32) -> (i32, i32) {
    %c0_i32 = arith.constant 0 : i32
    %c0_i32_0 = arith.constant 0 : i32
    return %arg0, %c0_i32 : i32, i32
  }
  func.func @transform_3(%arg0: i32) -> (i32, i32) {
    %c0_i32 = arith.constant 0 : i32
    %c0_i32_0 = arith.constant 0 : i32
    %c0_i32_1 = arith.constant 0 : i32
    return %c0_i32, %c0_i32_0 : i32, i32
  }
  func.func @transform_4(%arg0: i32) -> (i32, i32) {
    %c0_i32 = arith.constant 0 : i32
    %c0_i32_0 = arith.constant 0 : i32
    %c0_i32_1 = arith.constant 0 : i32
    return %c0_i32, %c0_i32_0 : i32, i32
  }
  func.func @transform_5(%arg0: i32) -> (i32, i32) {
    %c0_i32 = arith.constant 0 : i32
    %c0_i32_0 = arith.constant 0 : i32
    %c0_i32_1 = arith.constant 0 : i32
    return %c0_i32, %c0_i32_0 : i32, i32
  }
  func.func @transform_6(%arg0: i32) -> (i32, i32) {
    %c0_i32 = arith.constant 0 : i32
    %c0_i32_0 = arith.constant 0 : i32
    return %arg0, %c0_i32 : i32, i32
  }
}

</mosaic_0001>

<sc_bundles>
// kernel: kernel.12.cloned.1.call-start
scs
__scs_entry_jumppad:
0x0: {  	(pc) =	sbr.rel $0x88, $3  }
0x1: {  	(tag) =	ssettag $0x0;
	lr =	simm.s32 $0x1  }
0x2: {  	[smem:$0x3F99] =	sst lr;
	_ =	strace $0xD0000000  }
0x3: {  	_ = 	snop  }
0x4: {  	_ = 	snop  }
0x5: {  	_ = 	snop  }
0x6: {  	_ = 	snop  }
0x7: {  	_ = 	snop  }
__scs_overlays_trampoline_lowered:
0x8: {  	[smem:$0x3FA8] =	sst s0  }
0x9: {  	[smem:$0x3FA9] =	sst s1  }
0xa: {  	[smem:$0x3FAA] =	sst s2  }
0xb: {  	[smem:$0x3FAB] =	sst s3  }
0xc: {  	[smem:$0x3FAC] =	sst s4  }
0xd: {  	[smem:$0x3FAD] =	sst s5  }
0xe: {  	[smem:$0x3FAE] =	sst s6  }
0xf: {  	[smem:$0x3FAF] =	sst s7  }
0x10: {  	[smem:$0x3FB0] =	sst s8  }
0x11: {  	[smem:$0x3FB1] =	sst s9;
	s0 =	simm.s32 @!p0 $0x0  }
0x12: {  	s1 =	sld [smem:$0x3F97];
	s0 =	simm.s32 @p0 $0x1  }
0x13: {  	[smem:$0x3FB2] =	sst s0;
	s0 =	simm.s32 @!p1 $0x0  }
0x14: {  	s2 =	sld [smem:$0x3F96];
	s0 =	simm.s32 @p1 $0x1  }
0x15: {  	[smem:$0x3FB3] =	sst s0;
	s0 =	simm.s32 @!p2 $0x0  }
0x16: {  	s3 =	sld [smem:$0x3FDB];
	s0 =	simm.s32 @p2 $0x1  }
0x17: {  	s4 =	simm.s32 $0x1BF5;
	[smem:$0x3FB5] =	sst s0  }
0x18: {  	s0 =	sld [smem:$0x3F98];
	_ =	swait.ge [sflag:s4], $0x0  }
0x19: {  	s7 =	sld [smem:$0x3F99]  }
0x1a: {  	s8 =	sadd.s32 $0xFFFFE003, lr  }
0x1b: {  	s9 =	sadd.s32 $0xFFFFFEF7, lr;
	s5 =	simm.s32 $0xFFFFFFFF;
	p2 =	slt.u32 s8, $0xFFFFF086  }
0x1c: {  	p1 =	slt.u32 s9, $0xF7A;
	s5 =	simm.s32 @!p2 $0x0  }
0x1d: {  	s5 =	simm.s32 @p1 $0x1;
	p0 =	seq.s32 s7, s2  }
0x1e: {  	s7 =	smul.u32 @!p0 $0xF7A, s2;
	p2 =	seq.s32 @!p0 s5, $0x0  }
0x1f: {  	s9 =	smul.u32 $0xF7A, s1;
	s8 =	simm.s32 @!p0 $0x1BF5;
	p2 =	por !p2, p0  }
0x20: {  	[sflag:s8] =	ssyncset.s32 @!p0 $0xFFFFF086;
	s6 =	sadd.s32 @!p0 s3, s7;
	s7 =	simm.s32 @!p0 $0x108  }
0x21: {  	s3 =	sadd.s32 s3, s9;
	s6 =	sadd.s32 @!p0 $0x88, s6;
	s7 =	simm.s32 @p2 $0x1082  }
0x22: {  	[simem:s7], [sflag:s8] =	dma.local @!p0 [hbm:s6], $0xF7A  }
0x23: {  	s9 =	sor.u32 $0xD0000000, s2;
	s6 =	simm.s32 $0x108;
	_ =	swait.ge @!p0 [sflag:s8], $0x0  }
0x24: {  	s3 =	sadd.s32 $0x88, s3;
	s6 =	simm.s32 @!p1 $0x1082;
	[sflag:s4] =	ssyncset.s32 $0xFFFFF086  }
0x25: {  	[simem:s6], [sflag:s4] =	dma.local [hbm:s3], $0xF7A  }
0x26: {  	[smem:$0x3F99] =	sst s1;
	(tag) =	ssettag s2;
	_ =	strace s9  }
0x27: {  	s1 =	sld [smem:$0x3FA9]  }
0x28: {  	s2 =	sld [smem:$0x3FAA]  }
0x29: {  	s4 =	sld [smem:$0x3FAC]  }
0x2a: {  	p0 =	seq.s32 s5, $0x0;
	s5 =	sld [smem:$0x3FAD]  }
0x2b: {  	s6 =	sld [smem:$0x3FAE]  }
0x2c: {  	s7 =	sld [smem:$0x3FAF]  }
0x2d: {  	s3 =	simm.s32 $0x108;
	s8 =	sld [smem:$0x3FB0]  }
0x2e: {  	s3 =	simm.s32 @!p0 $0x1082;
	s9 =	sld [smem:$0x3FB1]  }
0x2f: {  	lr =	sadd.s32 s0, s3;
	s0 =	sld [smem:$0x3FA8]  }
0x30: {  	s3 =	sld [smem:$0x3FAB]  }
0x31: {  	[smem:$0x3FB4] =	sst s10  }
0x32: {  	s10 =	sld [smem:$0x3FB2];
	_ =	sdelay $0x3  }
0x33: {  	p0 =	seq.s32 s10, $0x1;
	s10 =	sld [smem:$0x3FB4];
	_ =	sdelay $0x3  }
0x34: {  	[smem:$0x3FB4] =	sst s10  }
0x35: {  	s10 =	sld [smem:$0x3FB3];
	_ =	sdelay $0x3  }
0x36: {  	p1 =	seq.s32 s10, $0x1;
	s10 =	sld [smem:$0x3FB4];
	_ =	sdelay $0x3  }
0x37: {  	[smem:$0x3FB4] =	sst s10  }
0x38: {  	s10 =	sld [smem:$0x3FB5]  }
0x39: {  	_ = 	snop;
	(pc) =	sbr.ind lr, $3  }
0x3a: {  	_ = 	snop  }
0x3b: {  	_ = 	snop  }
0x3c: {  	p2 =	seq.s32 s10, $0x1;
	s10 =	sld [smem:$0x3FB4]  }
0x3d: {  	_ =	shalt  }
0x3e: {  	_ =	shalt  }
0x3f: {  	_ =	shalt  }
0x40: {  	_ =	shalt  }
0x41: {  	_ =	shalt  }
0x42: {  	_ =	shalt  }
0x43: {  	_ =	shalt  }
0x44: {  	_ =	shalt  }
0x45: {  	_ =	shalt  }
0x46: {  	_ =	shalt  }
0x47: {  	_ =	shalt  }
0x48: {  	_ =	shalt  }
0x49: {  	_ =	shalt  }
0x4a: {  	_ =	shalt  }
0x4b: {  	_ =	shalt  }
0x4c: {  	_ =	shalt  }
0x4d: {  	_ =	shalt  }
0x4e: {  	_ =	shalt  }
0x4f: {  	_ =	shalt  }
0x50: {  	_ =	shalt  }
0x51: {  	_ =	shalt  }
0x52: {  	_ =	shalt  }
0x53: {  	_ =	shalt  }
0x54: {  	_ =	shalt  }
0x55: {  	_ =	shalt  }
0x56: {  	_ =	shalt  }
0x57: {  	_ =	shalt  }
0x58: {  	_ =	shalt  }
0x59: {  	_ =	shalt  }
0x5a: {  	_ =	shalt  }
0x5b: {  	_ =	shalt  }
0x5c: {  	_ =	shalt  }
0x5d: {  	_ =	shalt  }
0x5e: {  	_ =	shalt  }
0x5f: {  	_ =	shalt  }
0x60: {  	_ =	shalt  }
0x61: {  	_ =	shalt  }
0x62: {  	_ =	shalt  }
0x63: {  	_ =	shalt  }
0x64: {  	_ =	shalt  }
0x65: {  	_ =	shalt  }
0x66: {  	_ =	shalt  }
0x67: {  	_ =	shalt  }
0x68: {  	_ =	shalt  }
0x69: {  	_ =	shalt  }
0x6a: {  	_ =	shalt  }
0x6b: {  	_ =	shalt  }
0x6c: {  	_ =	shalt  }
0x6d: {  	_ =	shalt  }
0x6e: {  	_ =	shalt  }
0x6f: {  	_ =	shalt  }
0x70: {  	_ =	shalt  }
0x71: {  	_ =	shalt  }
0x72: {  	_ =	shalt  }
0x73: {  	_ =	shalt  }
0x74: {  	_ =	shalt  }
0x75: {  	_ =	shalt  }
0x76: {  	_ =	shalt  }
0x77: {  	_ =	shalt  }
0x78: {  	_ =	shalt  }
0x79: {  	_ =	shalt  }
0x7a: {  	_ =	shalt  }
0x7b: {  	_ =	shalt  }
0x7c: {  	_ =	shalt  }
0x7d: {  	_ =	shalt  }
0x7e: {  	_ =	shalt  }
0x7f: {  	_ =	shalt  }
0x80: {  	_ =	shalt  }
0x81: {  	_ =	shalt  }
0x82: {  	_ =	shalt  }
0x83: {  	_ =	shalt  }
0x84: {  	_ =	shalt  }
0x85: {  	_ =	shalt  }
0x86: {  	_ =	shalt  }
0x87: {  	_ =	shalt  }
.Lfunc_end0:
.L_simem_size_0:
called_computation.1_lowered:
.L_overlay_start_0:
0x88: {  	s2 =	sld [smem:$0x3FD9]  }
0x89: {  	s3 =	sld [smem:$0x3FFE];
	_ =	sdelay $0x1  }
0x8a: {  	s1 =	srdreg.scid  }
0x8b: {  	s0 =	sand.u32 $0x1, s1  }
0x8c: {  	s17 =	sshll.u32 s0, $0xA;
	s2 =	sadd.s32 s3, s2  }
0x8d: {  	s2 =	sadd.s32 s2, s17  }
0x8e: {  	[smem:$0x3FC0] =	sst s2  }
0x8f: {  	_ = 	snop  }
0x90: {  	s2 =	sld [smem:$0x3FD0];
	(tm) =	ssettm $0x1  }
0x91: {  	s18 =	sld [smem:$0x3FFB];
	_ =	sdelay $0x3  }
0x92: {  	_ =	strace s18  }
0x93: {  	s3 =	sld [smem:$0x3FFC];
	_ =	sdelay $0x3  }
0x94: {  	_ =	strace s3  }
0x95: {  	s3 =	sld [smem:$0x3FFD];
	_ =	sdelay $0x3  }
0x96: {  	_ =	strace s3  }
0x97: {  	_ =	strace $0x8FFFFFFF  }
0x98: {  	s19 =	sld [smem:$0x3FDB];
	_ =	sdelay $0x1  }
0x99: {  	s4 =	simm.s32 $_scs_section_size  }
0x9a: {  	s5 =	simm.s32 $_size__tile_overlayer_lowered;
	s6 =	simm.s32 $_tile_overlayer_lowered  }
0x9b: {  	s22 =	simm.s32 $0x1BFF;
	s21 =	sshll.u32 s6, $0x1;
	s3 =	sadd.s32 s4, s19  }
0x9c: {  	s7 =	simm.s32 $0x0;
	s20 =	sshll.u32 s5, $0x1;
	s5 =	sadd.s32 s21, s3  }
0x9d: {  	[timem:s7], [sflag:s22] =	dma.local [hbm:s5], s20  }
0x9e: {  	_ =	swait.ge [sflag:s22], s20  }
0x9f: {  	s4 =	ssub.s32 $0x0, s20;
	[sflag:s22] =	ssyncset.done $0x0  }
0xa0: {  	[sflag:s22] =	ssyncadd.s32 s4;
	_ =	sdelay $0x1  }
0xa1: {  	s23 =	simm.s32 $0x1B8B  }
0xa2: {  	_ =	swait.ge [sflag:s23], $0x1  }
0xa3: {  	[sflag:s23] =	ssyncset.done $0x0  }
0xa4: {  	s25 =	simm.s32 $0x1B8E;
	s24 =	sld [smem:$0x3FFE];
	[sflag:s23] =	ssyncadd.s32 $0xFFFFFFFF  }
0xa5: {  	s26 =	simm.s32 $execute0_lowered;
	[smem:$0x3FD2] =	sst s25  }
0xa6: {  	s5 =	sshll.u32 s26, $0x1;
	_ =	strace $0x80000049;
	[dreg:$0x1] =	wrdreg $0xFFFFFFFF  }
0xa7: {  	s28 =	simm.s32 $_size_execute0_lowered;
	s3 =	sadd.s32 s3, s5;
	[dreg:$0x0] =	wrdreg $0x0  }
0xa8: {  	s5 =	sshll.u32 s28, $0x1;
	[dreg:$0x2] =	wrdreg s3  }
0xa9: {  	[dreg:$0x3] =	wrdreg s5  }
0xaa: {  	[dreg:$0x4] =	wrdreg $0xC0  }
0xab: {  	_ =	task [dreg:s7], $0x5FFFF  }
0xac: {  	[dreg:$0x1] =	wrdreg $0xFFFFFFFF  }
0xad: {  	[dreg:$0x0] =	wrdreg $0x60  }
0xae: {  	[dreg:$0x2] =	wrdreg s24  }
0xaf: {  	[dreg:$0x3] =	wrdreg s2  }
0xb0: {  	[dreg:$0x4] =	wrdreg $0x88000  }
0xb1: {  	[dreg:$0x5] =	wrdreg $0x9  }
0xb2: {  	_ =	task.clear_ibuf [dreg:s7], $0x6FFFF;
	_ =	strace $0x90000049  }
0xb3: {  	s29 =	simm.s32 $0x9;
	_ =	strace $0x8000004B  }
0xb4: {  	_ =	swait.ge [sflag:s29], $0x1  }
0xb5: {  	[sflag:s29] =	ssyncadd.s32 $0xFFFFFFFF  }
0xb6: {  	_ =	strace $0x9000004B  }
0xb7: {  	_ =	sfence  }
0xb8: {  	s30 =	sld [smem:$0x0];
	_ =	sdelay $0x2  }
0xb9: {  	s31 =	sshll.u32 s1, $0xD;
	s1 =	sshrl.u32 s1, $0x2  }
0xba: {  	s3 =	sand.u32 $0x4000, s31;
	s1 =	sadd.s32 s1, s30  }
0xbb: {  	s0 =	sor.u32 s3, s0;
	s1 =	sshll.u32 s1, $0x11  }
0xbc: {  	s0 =	sor.u32 s1, s0  }
0xbd: {  	s0 =	sadd.s32 $0x8F2B, s0  }
0xbe: {  	[sflag:s0] =	ssyncadd.remote.s32 $0x1  }
0xbf: {  	_ =	sfence.sel $0xFFFF  }
0xc0: {  	[dreg:$0x0] =	wrdreg $0xFFFFFFFF;
	(pc) =	sbr.abs _section_cstart, $3  }
0xc1: {  	[dreg:$0x1] =	wrdreg $0xFFFFFFFF  }
0xc2: {  	_ =	task.clear_ibuf [dreg:s7], $0x2FFFF;
	_ =	strace $0x9FFFFFFF  }
0xc3: {  	(tm) =	ssettm $0x7FFFFFFF  }
tec
execute0_lowered:
.L_overlay_start_1:
0x0: {  	(tag) =	ssettag $0x1  }
0x1: {  	s0 =	rddreg [dreg:$0x0]  }
0x2: {  	s1 =	srdreg.scid;
	s10 =	stileid.u32  }
0x3: {  	s2 =	simm.s32 $0x98;
	s3 =	rddreg [dreg:$0x2];
	s4 =	simm.s32 $0x0  }
0x4: {  	s28 =	simm.s32 $0x2;
	s29 =	simm.s32 $0x480;
	s30 =	simm.s32 $0x180  }
0x5: {  	s31 =	simm.s32 $0x500;
	s13 =	simm.s32 $0x300;
	s8 =	smul.u32 $0x280, s10  }
0x6: {  	s14 =	simm.s32 $0x680;
	s1 =	sand.u32 $0x1, s1;
	s16 =	smul.u32 $0x50000, s10  }
0x7: {  	[smem:$0x7FF] =	sst s4;
	s5 =	sadd.s32 $0x16A00, s0;
	s6 =	smul.u32 $0x980, s1  }
0x8: {  	p0 =	seq.s32 s1, $0x0;
	s9 =	smul.u32 $0x2800, s1;
	s1 =	ssub.s32 $0x2, s1  }
0x9: {  	_ =	strace $0x8000004A;
	s2 =	simm.s32 @!p0 $0x8;
	s19 =	sshrl.u32 s1, $0x1  }
0xa: {  	s20 =	sshrl.u32 s16, $0x2;
	s16 =	simm.s32 $0x700;
	s7 =	smul.u32 s10, s2  }
0xb: {  	s15 =	sadd.s32 s9, s8;
	s1 =	ssub.s32 s1, s19;
	s12 =	sadd.s32 s20, s3  }
0xc: {  	s2 =	sshrl.u32 s2, $0x3;
	s20 =	simm.s32 $0x800;
	s8 =	simm.s32 $0x600  }
0xd: {  	[dreg:$0x4] =	wrdreg s2;
	s1 =	smax.u32 s1, $0x1;
	s6 =	sadd.s32 s6, s7  }
0xe: {  	s18 =	sshll.u32 s15, $0x4;
	[dreg:$0x5] =	wrdreg s1;
	s6 =	sshll.u32 s6, $0x4  }
0xf: {  	s17 =	sadd.s32 s6, s0;
	s0 =	sadd.s32 s18, s0;
	s6 =	sadd.s32 $0x10000, s12  }
0x10: {  	s19 =	sadd.s32 $0x8000, s12;
	s21 =	sadd.s32 $0x3EA00, s0;
	[dreg:$0x6] =	wrdreg s6  }
0x11: {  	s11 =	sadd.s32 $0xC000, s12;
	s22 =	sadd.s32 $0x3F200, s0;
	[dreg:$0x7] =	wrdreg s21  }
0x12: {  	s2 =	simm.s32 $0x200;
	s23 =	sadd.s32 $0x3FA00, s0;
	[dreg:$0x8] =	wrdreg s22  }
0x13: {  	s15 =	simm.s32 $0x380;
	s24 =	sadd.s32 $0x40200, s0;
	[dreg:$0x9] =	wrdreg s23  }
0x14: {  	s1 =	simm.s32 $0x280;
	s0 =	sadd.s32 $0x40A00, s0;
	[dreg:$0xa] =	wrdreg s24  }
0x15: {  	s7 =	simm.s32 $0x0;
	s25 =	sadd.s32 $0xCA00, s17;
	[dreg:$0xb] =	wrdreg s0  }
0x16: {  	s18 =	sadd.s32 $0x4000, s12;
	s26 =	sadd.s32 $0x2A00, s17;
	[dreg:$0xc] =	wrdreg s25  }
0x17: {  	s17 =	simm.s32 $0x780;
	[dreg:$0xd] =	wrdreg s26;
	s21 =	simm.s32 $0x3  }
0x18: {  	s22 =	simm.s32 $0x400;
	s23 =	simm.s32 $0x80;
	s24 =	simm.s32 $0x4800  }
0x19: {  	s25 =	simm.s32 $0x1;
	s26 =	simm.s32 $0x100;
	s0 =	simm.s32 $0x580  }
.LBB2_1:
0x1a: {  	s9 =	rddreg [dreg:$0x1]  }
0x1b: {  	[tilespmem:s20], [sflag:$0x3] =	stream.linear.gather [hbm4b:s9+s4], $0x4000, $0x38;
	[tilespmem:$0x1C800] =	vst v63  }
0x1c: {  	_ =	swait.ge [sflag:s21], $0x4000  }
0x1d: {  	[sflag:s21] =	ssyncset.done $0x0  }
0x1e: {  	[sflag:s21] =	ssyncadd.s32 $0xFFFFC000  }
0x1f: {  	[spmem:s12] =	stream.linear.scatter [tilespmem:s20], [sflag:$0x3], $0x4000, $0x38;
	[tilespmem:$0x1C800] =	vst v63  }
0x20: {  	_ =	swait.ge [sflag:s21], $0x4000  }
0x21: {  	[sflag:s21] =	ssyncset.done $0x0  }
0x22: {  	[sflag:s21] =	ssyncadd.s32 $0xFFFFC000  }
0x23: {  	[spmem:s18] =	stream.linear.scatter [tilespmem:s20], [sflag:$0x3], $0x4000, $0x38;
	[tilespmem:$0x1C800] =	vst v63  }
0x24: {  	_ =	swait.ge [sflag:s21], $0x4000  }
0x25: {  	[sflag:s21] =	ssyncset.done $0x0  }
0x26: {  	[sflag:s21] =	ssyncadd.s32 $0xFFFFC000  }
0x27: {  	[spmem:s19] =	stream.linear.scatter [tilespmem:s20], [sflag:$0x3], $0x4000, $0x38;
	[tilespmem:$0x1C800] =	vst v63  }
0x28: {  	_ =	swait.ge [sflag:s21], $0x4000  }
0x29: {  	[sflag:s21] =	ssyncset.done $0x0  }
0x2a: {  	[sflag:s21] =	ssyncadd.s32 $0xFFFFC000  }
0x2b: {  	[spmem:s11] =	stream.linear.scatter [tilespmem:s20], [sflag:$0x3], $0x4000, $0x38;
	[tilespmem:$0x1C800] =	vst v63  }
0x2c: {  	_ =	swait.ge [sflag:s21], $0x4000  }
0x2d: {  	[sflag:s21] =	ssyncset.done $0x0  }
0x2e: {  	s9 =	smov.u32 s6;
	[sflag:s21] =	ssyncadd.s32 $0xFFFFC000  }
0x2f: {  	[spmem:s9] =	stream.linear.scatter [tilespmem:s20], [sflag:$0x3], $0x4000, $0x38;
	[tilespmem:$0x1C800] =	vst v63  }
0x30: {  	_ =	swait.ge [sflag:s21], $0x4000  }
0x31: {  	[sflag:s21] =	ssyncset.done $0x0  }
0x32: {  	[sflag:s21] =	ssyncadd.s32 $0xFFFFC000  }
0x33: {  	[bflag:$0x0] =	sbarrier.arrive $0xFFFF  }
0x34: {  	s6 =	smov.u32 s19;
	s19 =	rddreg [dreg:$0xd]  }
0x35: {  	[tilespmem:s4], [sflag:$0x3] =	stream.linear.gather [hbm4b:s19+s4], $0x400, $0x38;
	[tilespmem:$0x1C800] =	vst v63  }
0x36: {  	_ =	swait.ge [sflag:s21], $0x400  }
0x37: {  	s10 =	smov.u32 s12;
	[sflag:s21] =	ssyncset.done $0x0  }
0x38: {  	s12 =	smov.u32 s18;
	s18 =	rddreg [dreg:$0xc];
	[sflag:s21] =	ssyncadd.s32 $0xFFFFFC00  }
0x39: {  	[tilespmem:s22], [sflag:$0x3] =	stream.linear.gather [hbm4b:s18+s4], $0x400, $0x38;
	[tilespmem:$0x1C800] =	vst v63  }
0x3a: {  	_ =	swait.ge [sflag:s21], $0x400  }
0x3b: {  	[sflag:s21] =	ssyncset.done $0x0  }
0x3c: {  	[sflag:s21] =	ssyncadd.s32 $0xFFFFFC00  }
0x3d: {  	[tilespmem:s20], [sflag:$0x1] =	stream.indirect.gather [hbm4b:s5+s23], $0x80, s4, s23, $0xb8;
	[tilespmem:$0x1C800] =	vst v63  }
0x3e: {  	_ = 	snop  }
0x3f: {  	[tilespmem:s24], [sflag:$0x2] =	stream.indirect.gather [hbm4b:s5+s23], $0x80, s23, s23, $0xb8;
	[tilespmem:$0x1C800] =	vst v63  }
0x40: {  	_ =	swait.ge [sflag:s25], $0x4000  }
0x41: {  	[sflag:s25] =	ssyncset.done $0x0  }
0x42: {  	[sflag:s25] =	ssyncadd.s32 $0xFFFFC000  }
0x43: {  	[spmem:s3] =	stream.indirect.scatter.add.f32 [tilespmem:s20], [sflag:$0x3], $0x80, s22, s23, $0xb8;
	[tilespmem:$0x1C800] =	vst v63  }
0x44: {  	_ =	swait.ge [sflag:s21], $0x4000  }
0x45: {  	[sflag:s21] =	ssyncset.done $0x0  }
0x46: {  	[sflag:s21] =	ssyncadd.s32 $0xFFFFC000  }
0x47: {  	[tilespmem:s20], [sflag:$0x1] =	stream.indirect.gather [hbm4b:s5+s23], $0x80, s26, s23, $0xb8;
	[tilespmem:$0x1C800] =	vst v63  }
0x48: {  	_ =	swait.ge [sflag:s28], $0x4000  }
0x49: {  	[sflag:s28] =	ssyncset.done $0x0  }
0x4a: {  	[sflag:s28] =	ssyncadd.s32 $0xFFFFC000  }
0x4b: {  	[spmem:s3] =	stream.indirect.scatter.add.f32 [tilespmem:s24], [sflag:$0x3], $0x80, s29, s23, $0xb8;
	[tilespmem:$0x1C800] =	vst v63  }
0x4c: {  	_ =	swait.ge [sflag:s21], $0x4000  }
0x4d: {  	[sflag:s21] =	ssyncset.done $0x0  }
0x4e: {  	[sflag:s21] =	ssyncadd.s32 $0xFFFFC000  }
0x4f: {  	[tilespmem:s24], [sflag:$0x2] =	stream.indirect.gather [hbm4b:s5+s23], $0x80, s30, s23, $0xb8;
	[tilespmem:$0x1C800] =	vst v63  }
0x50: {  	_ =	swait.ge [sflag:s25], $0x4000  }
0x51: {  	[sflag:s25] =	ssyncset.done $0x0  }
0x52: {  	[sflag:s25] =	ssyncadd.s32 $0xFFFFC000  }
0x53: {  	[spmem:s3] =	stream.indirect.scatter.add.f32 [tilespmem:s20], [sflag:$0x3], $0x80, s31, s23, $0xb8;
	[tilespmem:$0x1C800] =	vst v63  }
0x54: {  	_ =	swait.ge [sflag:s21], $0x4000  }
0x55: {  	[sflag:s21] =	ssyncset.done $0x0  }
0x56: {  	[sflag:s21] =	ssyncadd.s32 $0xFFFFC000  }
0x57: {  	[tilespmem:s20], [sflag:$0x1] =	stream.indirect.gather [hbm4b:s5+s23], $0x80, s2, s23, $0xb8;
	[tilespmem:$0x1C800] =	vst v63  }
0x58: {  	_ =	swait.ge [sflag:s28], $0x4000  }
0x59: {  	[sflag:s28] =	ssyncset.done $0x0  }
0x5a: {  	[sflag:s28] =	ssyncadd.s32 $0xFFFFC000  }
0x5b: {  	[spmem:s3] =	stream.indirect.scatter.add.f32 [tilespmem:s24], [sflag:$0x3], $0x80, s0, s23, $0xb8;
	[tilespmem:$0x1C800] =	vst v63  }
0x5c: {  	_ =	swait.ge [sflag:s21], $0x4000  }
0x5d: {  	[sflag:s21] =	ssyncset.done $0x0  }
0x5e: {  	[sflag:s21] =	ssyncadd.s32 $0xFFFFC000  }
0x5f: {  	[tilespmem:s24], [sflag:$0x2] =	stream.indirect.gather [hbm4b:s5+s23], $0x80, s1, s23, $0xb8;
	[tilespmem:$0x1C800] =	vst v63  }
0x60: {  	_ =	swait.ge [sflag:s25], $0x4000  }
0x61: {  	[sflag:s25] =	ssyncset.done $0x0  }
0x62: {  	[sflag:s25] =	ssyncadd.s32 $0xFFFFC000  }
0x63: {  	[spmem:s3] =	stream.indirect.scatter.add.f32 [tilespmem:s20], [sflag:$0x3], $0x80, s8, s23, $0xb8;
	[tilespmem:$0x1C800] =	vst v63  }
0x64: {  	_ =	swait.ge [sflag:s21], $0x4000  }
0x65: {  	[sflag:s21] =	ssyncset.done $0x0  }
0x66: {  	[sflag:s21] =	ssyncadd.s32 $0xFFFFC000  }
0x67: {  	[tilespmem:s20], [sflag:$0x1] =	stream.indirect.gather [hbm4b:s5+s23], $0x80, s13, s23, $0xb8;
	[tilespmem:$0x1C800] =	vst v63  }
0x68: {  	_ =	swait.ge [sflag:s28], $0x4000  }
0x69: {  	[sflag:s28] =	ssyncset.done $0x0  }
0x6a: {  	[sflag:s28] =	ssyncadd.s32 $0xFFFFC000  }
0x6b: {  	[spmem:s3] =	stream.indirect.scatter.add.f32 [tilespmem:s24], [sflag:$0x3], $0x80, s14, s23, $0xb8;
	[tilespmem:$0x1C800] =	vst v63  }
0x6c: {  	_ =	swait.ge [sflag:s21], $0x4000  }
0x6d: {  	[sflag:s21] =	ssyncset.done $0x0  }
0x6e: {  	[sflag:s21] =	ssyncadd.s32 $0xFFFFC000  }
0x6f: {  	[tilespmem:s24], [sflag:$0x2] =	stream.indirect.gather [hbm4b:s5+s23], $0x80, s15, s23, $0xb8;
	[tilespmem:$0x1C800] =	vst v63  }
0x70: {  	_ =	swait.ge [sflag:s25], $0x4000  }
0x71: {  	[sflag:s25] =	ssyncset.done $0x0  }
0x72: {  	[sflag:s25] =	ssyncadd.s32 $0xFFFFC000  }
0x73: {  	[spmem:s3] =	stream.indirect.scatter.add.f32 [tilespmem:s20], [sflag:$0x3], $0x80, s16, s23, $0xb8;
	[tilespmem:$0x1C800] =	vst v63  }
0x74: {  	_ =	swait.ge [sflag:s21], $0x4000  }
0x75: {  	[sflag:s21] =	ssyncset.done $0x0  }
0x76: {  	[sflag:s21] =	ssyncadd.s32 $0xFFFFC000  }
0x77: {  	_ =	swait.ge [sflag:s28], $0x4000  }
0x78: {  	s9 =	rddreg [dreg:$0x4]  }
0x79: {  	p0 =	sne.s32 s9, $0x1  }
.Ltmp0:
0x7a: {  	[sflag:s28] =	ssyncset.done $0x0;
	(pc) =	sbr.rel @!p0 .LBB2_3-.Ltmp0, $4  }
0x7b: {  	[sflag:s28] =	ssyncadd.s32 $0xFFFFC000  }
0x7c: {  	[spmem:s3] =	stream.indirect.scatter.add.f32 [tilespmem:s24], [sflag:$0x3], $0x80, s17, s23, $0xb8;
	[tilespmem:$0x1C800] =	vst v63  }
0x7d: {  	_ =	swait.ge [sflag:s21], $0x4000  }
0x7e: {  	s9 =	sadd.s32 $0xFFFFFFFF, s9;
	[sflag:s21] =	ssyncset.done $0x0  }
.LBB2_2:
0x7f: {  	[sflag:s21] =	ssyncadd.s32 $0xFFFFC000;
	s18 =	sadd.s32 $0x80, s18;
	s19 =	sadd.s32 $0x80, s19  }
0x80: {  	[tilespmem:s4], [sflag:$0x3] =	stream.linear.gather [hbm4b:s19+s4], $0x400, $0x38;
	[tilespmem:$0x1C800] =	vst v63  }
0x81: {  	p0 =	sne.s32 s9, $0x1;
	s9 =	sadd.s32 $0xFFFFFFFF, s9;
	_ =	swait.ge [sflag:s21], $0x400  }
0x82: {  	[sflag:s21] =	ssyncset.done $0x0  }
0x83: {  	[sflag:s21] =	ssyncadd.s32 $0xFFFFFC00  }
0x84: {  	[tilespmem:s22], [sflag:$0x3] =	stream.linear.gather [hbm4b:s18+s4], $0x400, $0x38;
	[tilespmem:$0x1C800] =	vst v63  }
0x85: {  	_ =	swait.ge [sflag:s21], $0x400  }
0x86: {  	[sflag:s21] =	ssyncset.done $0x0  }
0x87: {  	[sflag:s21] =	ssyncadd.s32 $0xFFFFFC00  }
0x88: {  	[tilespmem:s20], [sflag:$0x1] =	stream.indirect.gather [hbm4b:s5+s23], $0x80, s4, s23, $0xb8;
	[tilespmem:$0x1C800] =	vst v63  }
0x89: {  	_ = 	snop  }
0x8a: {  	[tilespmem:s24], [sflag:$0x2] =	stream.indirect.gather [hbm4b:s5+s23], $0x80, s23, s23, $0xb8;
	[tilespmem:$0x1C800] =	vst v63  }
0x8b: {  	_ =	swait.ge [sflag:s25], $0x4000  }
0x8c: {  	[sflag:s25] =	ssyncset.done $0x0  }
0x8d: {  	[sflag:s25] =	ssyncadd.s32 $0xFFFFC000  }
0x8e: {  	[spmem:s3] =	stream.indirect.scatter.add.f32 [tilespmem:s20], [sflag:$0x3], $0x80, s22, s23, $0xb8;
	[tilespmem:$0x1C800] =	vst v63  }
0x8f: {  	_ =	swait.ge [sflag:s21], $0x4000  }
0x90: {  	[sflag:s21] =	ssyncset.done $0x0  }
0x91: {  	[sflag:s21] =	ssyncadd.s32 $0xFFFFC000  }
0x92: {  	[tilespmem:s20], [sflag:$0x1] =	stream.indirect.gather [hbm4b:s5+s23], $0x80, s26, s23, $0xb8;
	[tilespmem:$0x1C800] =	vst v63  }
0x93: {  	_ =	swait.ge [sflag:s28], $0x4000  }
0x94: {  	[sflag:s28] =	ssyncset.done $0x0  }
0x95: {  	[sflag:s28] =	ssyncadd.s32 $0xFFFFC000  }
0x96: {  	[spmem:s3] =	stream.indirect.scatter.add.f32 [tilespmem:s24], [sflag:$0x3], $0x80, s29, s23, $0xb8;
	[tilespmem:$0x1C800] =	vst v63  }
0x97: {  	_ =	swait.ge [sflag:s21], $0x4000  }
0x98: {  	[sflag:s21] =	ssyncset.done $0x0  }
0x99: {  	[sflag:s21] =	ssyncadd.s32 $0xFFFFC000  }
0x9a: {  	[tilespmem:s24], [sflag:$0x2] =	stream.indirect.gather [hbm4b:s5+s23], $0x80, s30, s23, $0xb8;
	[tilespmem:$0x1C800] =	vst v63  }
0x9b: {  	_ =	swait.ge [sflag:s25], $0x4000  }
0x9c: {  	[sflag:s25] =	ssyncset.done $0x0  }
0x9d: {  	[sflag:s25] =	ssyncadd.s32 $0xFFFFC000  }
0x9e: {  	[spmem:s3] =	stream.indirect.scatter.add.f32 [tilespmem:s20], [sflag:$0x3], $0x80, s31, s23, $0xb8;
	[tilespmem:$0x1C800] =	vst v63  }
0x9f: {  	_ =	swait.ge [sflag:s21], $0x4000  }
0xa0: {  	[sflag:s21] =	ssyncset.done $0x0  }
0xa1: {  	[sflag:s21] =	ssyncadd.s32 $0xFFFFC000  }
0xa2: {  	[tilespmem:s20], [sflag:$0x1] =	stream.indirect.gather [hbm4b:s5+s23], $0x80, s2, s23, $0xb8;
	[tilespmem:$0x1C800] =	vst v63  }
0xa3: {  	_ =	swait.ge [sflag:s28], $0x4000  }
0xa4: {  	[sflag:s28] =	ssyncset.done $0x0  }
0xa5: {  	[sflag:s28] =	ssyncadd.s32 $0xFFFFC000  }
0xa6: {  	[spmem:s3] =	stream.indirect.scatter.add.f32 [tilespmem:s24], [sflag:$0x3], $0x80, s0, s23, $0xb8;
	[tilespmem:$0x1C800] =	vst v63  }
0xa7: {  	_ =	swait.ge [sflag:s21], $0x4000  }
0xa8: {  	[sflag:s21] =	ssyncset.done $0x0  }
0xa9: {  	[sflag:s21] =	ssyncadd.s32 $0xFFFFC000  }
0xaa: {  	[tilespmem:s24], [sflag:$0x2] =	stream.indirect.gather [hbm4b:s5+s23], $0x80, s1, s23, $0xb8;
	[tilespmem:$0x1C800] =	vst v63  }
0xab: {  	_ =	swait.ge [sflag:s25], $0x4000  }
0xac: {  	[sflag:s25] =	ssyncset.done $0x0  }
0xad: {  	[sflag:s25] =	ssyncadd.s32 $0xFFFFC000  }
0xae: {  	[spmem:s3] =	stream.indirect.scatter.add.f32 [tilespmem:s20], [sflag:$0x3], $0x80, s8, s23, $0xb8;
	[tilespmem:$0x1C800] =	vst v63  }
0xaf: {  	_ =	swait.ge [sflag:s21], $0x4000  }
0xb0: {  	[sflag:s21] =	ssyncset.done $0x0  }
0xb1: {  	[sflag:s21] =	ssyncadd.s32 $0xFFFFC000  }
0xb2: {  	[tilespmem:s20], [sflag:$0x1] =	stream.indirect.gather [hbm4b:s5+s23], $0x80, s13, s23, $0xb8;
	[tilespmem:$0x1C800] =	vst v63  }
0xb3: {  	_ =	swait.ge [sflag:s28], $0x4000  }
0xb4: {  	[sflag:s28] =	ssyncset.done $0x0  }
0xb5: {  	[sflag:s28] =	ssyncadd.s32 $0xFFFFC000  }
0xb6: {  	[spmem:s3] =	stream.indirect.scatter.add.f32 [tilespmem:s24], [sflag:$0x3], $0x80, s14, s23, $0xb8;
	[tilespmem:$0x1C800] =	vst v63  }
0xb7: {  	_ =	swait.ge [sflag:s21], $0x4000  }
0xb8: {  	[sflag:s21] =	ssyncset.done $0x0  }
0xb9: {  	[sflag:s21] =	ssyncadd.s32 $0xFFFFC000  }
0xba: {  	[tilespmem:s24], [sflag:$0x2] =	stream.indirect.gather [hbm4b:s5+s23], $0x80, s15, s23, $0xb8;
	[tilespmem:$0x1C800] =	vst v63  }
0xbb: {  	_ =	swait.ge [sflag:s25], $0x4000  }
0xbc: {  	[sflag:s25] =	ssyncset.done $0x0  }
0xbd: {  	[sflag:s25] =	ssyncadd.s32 $0xFFFFC000  }
0xbe: {  	[spmem:s3] =	stream.indirect.scatter.add.f32 [tilespmem:s20], [sflag:$0x3], $0x80, s16, s23, $0xb8;
	[tilespmem:$0x1C800] =	vst v63  }
0xbf: {  	_ =	swait.ge [sflag:s21], $0x4000  }
0xc0: {  	[sflag:s21] =	ssyncset.done $0x0  }
0xc1: {  	[sflag:s21] =	ssyncadd.s32 $0xFFFFC000  }
0xc2: {  	_ =	swait.ge [sflag:s28], $0x4000  }
.Ltmp1:
0xc3: {  	[sflag:s28] =	ssyncset.done $0x0;
	(pc) =	sbr.rel @p0 .LBB2_2-.Ltmp1, $4  }
0xc4: {  	[sflag:s28] =	ssyncadd.s32 $0xFFFFC000  }
0xc5: {  	[spmem:s3] =	stream.indirect.scatter.add.f32 [tilespmem:s24], [sflag:$0x3], $0x80, s17, s23, $0xb8;
	[tilespmem:$0x1C800] =	vst v63  }
0xc6: {  	_ =	swait.ge [sflag:s21], $0x4000  }
0xc7: {  	[sflag:s21] =	ssyncset.done $0x0  }
.LBB2_3:
0xc8: {  	[sflag:s21] =	ssyncadd.s32 $0xFFFFC000  }
0xc9: {  	[bflag:$0x0] =	sbarrier.arrive $0xFFFF  }
0xca: {  	[tilespmem:s20], [sflag:$0x3] =	stream.linear.gather [spmem:s10], $0x4000, $0x38;
	[tilespmem:$0x1C800] =	vst v63  }
0xcb: {  	_ =	swait.ge [sflag:s21], $0x4000  }
0xcc: {  	[sflag:s21] =	ssyncset.done $0x0  }
0xcd: {  	s9 =	rddreg [dreg:$0x7];
	[sflag:s21] =	ssyncadd.s32 $0xFFFFC000  }
0xce: {  	[hbm4b:s9+s4] =	stream.linear.scatter [tilespmem:s20], [sflag:$0x3], $0x4000, $0x38;
	[tilespmem:$0x1C800] =	vst v63  }
0xcf: {  	_ =	swait.ge [sflag:s21], $0x4000  }
0xd0: {  	[sflag:s21] =	ssyncset.done $0x0  }
0xd1: {  	[sflag:s21] =	ssyncadd.s32 $0xFFFFC000  }
0xd2: {  	[tilespmem:s20], [sflag:$0x3] =	stream.linear.gather [spmem:s12], $0x4000, $0x38;
	[tilespmem:$0x1C800] =	vst v63  }
0xd3: {  	_ =	swait.ge [sflag:s21], $0x4000  }
0xd4: {  	[sflag:s21] =	ssyncset.done $0x0  }
0xd5: {  	s19 =	rddreg [dreg:$0x8];
	[sflag:s21] =	ssyncadd.s32 $0xFFFFC000  }
0xd6: {  	[hbm4b:s19+s4] =	stream.linear.scatter [tilespmem:s20], [sflag:$0x3], $0x4000, $0x38;
	[tilespmem:$0x1C800] =	vst v63  }
0xd7: {  	_ =	swait.ge [sflag:s21], $0x4000  }
0xd8: {  	[sflag:s21] =	ssyncset.done $0x0  }
0xd9: {  	[sflag:s21] =	ssyncadd.s32 $0xFFFFC000  }
0xda: {  	[tilespmem:s20], [sflag:$0x3] =	stream.linear.gather [spmem:s6], $0x4000, $0x38;
	[tilespmem:$0x1C800] =	vst v63  }
0xdb: {  	_ =	swait.ge [sflag:s21], $0x4000  }
0xdc: {  	s18 =	smov.u32 s12;
	[sflag:s21] =	ssyncset.done $0x0  }
0xdd: {  	s12 =	smov.u32 s10;
	s10 =	rddreg [dreg:$0x9];
	[sflag:s21] =	ssyncadd.s32 $0xFFFFC000  }
0xde: {  	[hbm4b:s10+s4] =	stream.linear.scatter [tilespmem:s20], [sflag:$0x3], $0x4000, $0x38;
	[tilespmem:$0x1C800] =	vst v63  }
0xdf: {  	_ =	swait.ge [sflag:s21], $0x4000  }
0xe0: {  	[sflag:s21] =	ssyncset.done $0x0  }
0xe1: {  	[sflag:s21] =	ssyncadd.s32 $0xFFFFC000  }
0xe2: {  	[tilespmem:s20], [sflag:$0x3] =	stream.linear.gather [spmem:s11], $0x4000, $0x38;
	[tilespmem:$0x1C800] =	vst v63  }
0xe3: {  	_ =	swait.ge [sflag:s21], $0x4000  }
0xe4: {  	[sflag:s21] =	ssyncset.done $0x0  }
0xe5: {  	s9 =	rddreg [dreg:$0xa];
	[sflag:s21] =	ssyncadd.s32 $0xFFFFC000  }
0xe6: {  	[hbm4b:s9+s4] =	stream.linear.scatter [tilespmem:s20], [sflag:$0x3], $0x4000, $0x38;
	[tilespmem:$0x1C800] =	vst v63  }
0xe7: {  	_ =	swait.ge [sflag:s21], $0x4000  }
0xe8: {  	[sflag:s21] =	ssyncset.done $0x0  }
0xe9: {  	s19 =	smov.u32 s6;
	s6 =	rddreg [dreg:$0x6];
	[sflag:s21] =	ssyncadd.s32 $0xFFFFC000  }
0xea: {  	[tilespmem:s20], [sflag:$0x3] =	stream.linear.gather [spmem:s6], $0x4000, $0x38;
	[tilespmem:$0x1C800] =	vst v63  }
0xeb: {  	_ =	swait.ge [sflag:s21], $0x4000  }
0xec: {  	[sflag:s21] =	ssyncset.done $0x0  }
0xed: {  	s10 =	rddreg [dreg:$0xb];
	[sflag:s21] =	ssyncadd.s32 $0xFFFFC000  }
0xee: {  	[hbm4b:s10+s4] =	stream.linear.scatter [tilespmem:s20], [sflag:$0x3], $0x4000, $0x38;
	[tilespmem:$0x1C800] =	vst v63  }
0xef: {  	_ =	swait.ge [sflag:s21], $0x4000  }
0xf0: {  	s7 =	sadd.s32 $0x1, s7;
	s10 =	rddreg [dreg:$0x5]  }
0xf1: {  	p0 =	sne.s32 s7, s10  }
.Ltmp2:
0xf2: {  	_ = 	snop;
	(pc) =	sbr.rel @p0 .LBB2_1-.Ltmp2, $3  }
0xf3: {  	_ =	sdelay $0x1  }
0xf4: {  	[sflag:s21] =	ssyncset.done $0x0  }
0xf5: {  	[sflag:s21] =	ssyncadd.s32 $0xFFFFC000  }
0xf6: {  	_ =	sfence.sel $0x180000  }
0xf7: {  	[bflag:$0x0] =	sbarrier.arrive $0xFFFF  }
0xf8: {  	_ =	strace $0x9000004A  }
0xf9: {  	s0 =	stileid.u32;
	[bflag:$0x2] =	sbarrier.arrive $0xFFFF  }
0xfa: {  	p0 =	sne.s32 s0, $0x0;
	s0 =	rddreg [dreg:$0x3]  }
0xfb: {  	s0 =	sadd.s32 @!p0 $0x100000, s0  }
0xfc: {  	[sflag:s0] =	ssyncadd.tile.s32 @!p0 $0x1;
	_ =	shalt  }
.Lfunc_end2:
_tile_overlayer_lowered:
.L_overlay_start_2:
0xfd: {  	(tag) =	ssettag $0x2  }
0xfe: {  	s0 =	rddreg [dreg:$0x0];
	s2 =	stileid.u32  }
0xff: {  	s1 =	rddreg [dreg:$0x1];
	p0 =	sne.s32 s2, $0x0  }
0x100: {  	s3 =	rddreg [dreg:$0x2];
	[bflag:$0x3] =	sbarrier.arrive $0xFFFF;
	s2 =	simm.s32 @!p0 $0x1C03  }
0x101: {  	[timem:s3], [sflag:s2] =	dma.local @!p0 [hbm:s0], s1  }
0x102: {  	s0 =	simm.s32 @!p0 $0x3  }
0x103: {  	_ =	swait.ge @!p0 [sflag:s0], s1  }
0x104: {  	s1 =	ssub.s32 @!p0 $0x0, s1;
	[sflag:s0] =	ssyncset.done @!p0 $0x0  }
0x105: {  	[sflag:s0] =	ssyncadd.s32 @!p0 s1  }
0x106: {  	[bflag:$0x3] =	sbarrier.arrive $0xFFFF  }
0x107: {  	_ =	shalt  }

// kernel: kernel.15.cloned.1.call-start
scs
__scs_entry_jumppad:
0x0: {  	(pc) =	sbr.rel $0x88, $3  }
0x1: {  	(tag) =	ssettag $0x0;
	lr =	simm.s32 $0x1  }
0x2: {  	[smem:$0x3F99] =	sst lr;
	_ =	strace $0xD0000000  }
0x3: {  	_ = 	snop  }
0x4: {  	_ = 	snop  }
0x5: {  	_ = 	snop  }
0x6: {  	_ = 	snop  }
0x7: {  	_ = 	snop  }
__scs_overlays_trampoline_lowered:
0x8: {  	[smem:$0x3FA8] =	sst s0  }
0x9: {  	[smem:$0x3FA9] =	sst s1  }
0xa: {  	[smem:$0x3FAA] =	sst s2  }
0xb: {  	[smem:$0x3FAB] =	sst s3  }
0xc: {  	[smem:$0x3FAC] =	sst s4  }
0xd: {  	[smem:$0x3FAD] =	sst s5  }
0xe: {  	[smem:$0x3FAE] =	sst s6  }
0xf: {  	[smem:$0x3FAF] =	sst s7  }
0x10: {  	[smem:$0x3FB0] =	sst s8  }
0x11: {  	[smem:$0x3FB1] =	sst s9;
	s0 =	simm.s32 @!p0 $0x0  }
0x12: {  	s1 =	sld [smem:$0x3F97];
	s0 =	simm.s32 @p0 $0x1  }
0x13: {  	[smem:$0x3FB2] =	sst s0;
	s0 =	simm.s32 @!p1 $0x0  }
0x14: {  	s2 =	sld [smem:$0x3F96];
	s0 =	simm.s32 @p1 $0x1  }
0x15: {  	[smem:$0x3FB3] =	sst s0;
	s0 =	simm.s32 @!p2 $0x0  }
0x16: {  	s3 =	sld [smem:$0x3FDB];
	s0 =	simm.s32 @p2 $0x1  }
0x17: {  	s4 =	simm.s32 $0x1BF5;
	[smem:$0x3FB5] =	sst s0  }
0x18: {  	s0 =	sld [smem:$0x3F98];
	_ =	swait.ge [sflag:s4], $0x0  }
0x19: {  	s7 =	sld [smem:$0x3F99]  }
0x1a: {  	s8 =	sadd.s32 $0xFFFFE003, lr  }
0x1b: {  	s9 =	sadd.s32 $0xFFFFFEF7, lr;
	s5 =	simm.s32 $0xFFFFFFFF;
	p2 =	slt.u32 s8, $0xFFFFF086  }
0x1c: {  	p1 =	slt.u32 s9, $0xF7A;
	s5 =	simm.s32 @!p2 $0x0  }
0x1d: {  	s5 =	simm.s32 @p1 $0x1;
	p0 =	seq.s32 s7, s2  }
0x1e: {  	s7 =	smul.u32 @!p0 $0xF7A, s2;
	p2 =	seq.s32 @!p0 s5, $0x0  }
0x1f: {  	s9 =	smul.u32 $0xF7A, s1;
	s8 =	simm.s32 @!p0 $0x1BF5;
	p2 =	por !p2, p0  }
0x20: {  	[sflag:s8] =	ssyncset.s32 @!p0 $0xFFFFF086;
	s6 =	sadd.s32 @!p0 s3, s7;
	s7 =	simm.s32 @!p0 $0x108  }
0x21: {  	s3 =	sadd.s32 s3, s9;
	s6 =	sadd.s32 @!p0 $0x88, s6;
	s7 =	simm.s32 @p2 $0x1082  }
0x22: {  	[simem:s7], [sflag:s8] =	dma.local @!p0 [hbm:s6], $0xF7A  }
0x23: {  	s9 =	sor.u32 $0xD0000000, s2;
	s6 =	simm.s32 $0x108;
	_ =	swait.ge @!p0 [sflag:s8], $0x0  }
0x24: {  	s3 =	sadd.s32 $0x88, s3;
	s6 =	simm.s32 @!p1 $0x1082;
	[sflag:s4] =	ssyncset.s32 $0xFFFFF086  }
0x25: {  	[simem:s6], [sflag:s4] =	dma.local [hbm:s3], $0xF7A  }
0x26: {  	[smem:$0x3F99] =	sst s1;
	(tag) =	ssettag s2;
	_ =	strace s9  }
0x27: {  	s1 =	sld [smem:$0x3FA9]  }
0x28: {  	s2 =	sld [smem:$0x3FAA]  }
0x29: {  	s4 =	sld [smem:$0x3FAC]  }
0x2a: {  	p0 =	seq.s32 s5, $0x0;
	s5 =	sld [smem:$0x3FAD]  }
0x2b: {  	s6 =	sld [smem:$0x3FAE]  }
0x2c: {  	s7 =	sld [smem:$0x3FAF]  }
0x2d: {  	s3 =	simm.s32 $0x108;
	s8 =	sld [smem:$0x3FB0]  }
0x2e: {  	s3 =	simm.s32 @!p0 $0x1082;
	s9 =	sld [smem:$0x3FB1]  }
0x2f: {  	lr =	sadd.s32 s0, s3;
	s0 =	sld [smem:$0x3FA8]  }
0x30: {  	s3 =	sld [smem:$0x3FAB]  }
0x31: {  	[smem:$0x3FB4] =	sst s10  }
0x32: {  	s10 =	sld [smem:$0x3FB2];
	_ =	sdelay $0x3  }
0x33: {  	p0 =	seq.s32 s10, $0x1;
	s10 =	sld [smem:$0x3FB4];
	_ =	sdelay $0x3  }
0x34: {  	[smem:$0x3FB4] =	sst s10  }
0x35: {  	s10 =	sld [smem:$0x3FB3];
	_ =	sdelay $0x3  }
0x36: {  	p1 =	seq.s32 s10, $0x1;
	s10 =	sld [smem:$0x3FB4];
	_ =	sdelay $0x3  }
0x37: {  	[smem:$0x3FB4] =	sst s10  }
0x38: {  	s10 =	sld [smem:$0x3FB5]  }
0x39: {  	_ = 	snop;
	(pc) =	sbr.ind lr, $3  }
0x3a: {  	_ = 	snop  }
0x3b: {  	_ = 	snop  }
0x3c: {  	p2 =	seq.s32 s10, $0x1;
	s10 =	sld [smem:$0x3FB4]  }
0x3d: {  	_ =	shalt  }
0x3e: {  	_ =	shalt  }
0x3f: {  	_ =	shalt  }
0x40: {  	_ =	shalt  }
0x41: {  	_ =	shalt  }
0x42: {  	_ =	shalt  }
0x43: {  	_ =	shalt  }
0x44: {  	_ =	shalt  }
0x45: {  	_ =	shalt  }
0x46: {  	_ =	shalt  }
0x47: {  	_ =	shalt  }
0x48: {  	_ =	shalt  }
0x49: {  	_ =	shalt  }
0x4a: {  	_ =	shalt  }
0x4b: {  	_ =	shalt  }
0x4c: {  	_ =	shalt  }
0x4d: {  	_ =	shalt  }
0x4e: {  	_ =	shalt  }
0x4f: {  	_ =	shalt  }
0x50: {  	_ =	shalt  }
0x51: {  	_ =	shalt  }
0x52: {  	_ =	shalt  }
0x53: {  	_ =	shalt  }
0x54: {  	_ =	shalt  }
0x55: {  	_ =	shalt  }
0x56: {  	_ =	shalt  }
0x57: {  	_ =	shalt  }
0x58: {  	_ =	shalt  }
0x59: {  	_ =	shalt  }
0x5a: {  	_ =	shalt  }
0x5b: {  	_ =	shalt  }
0x5c: {  	_ =	shalt  }
0x5d: {  	_ =	shalt  }
0x5e: {  	_ =	shalt  }
0x5f: {  	_ =	shalt  }
0x60: {  	_ =	shalt  }
0x61: {  	_ =	shalt  }
0x62: {  	_ =	shalt  }
0x63: {  	_ =	shalt  }
0x64: {  	_ =	shalt  }
0x65: {  	_ =	shalt  }
0x66: {  	_ =	shalt  }
0x67: {  	_ =	shalt  }
0x68: {  	_ =	shalt  }
0x69: {  	_ =	shalt  }
0x6a: {  	_ =	shalt  }
0x6b: {  	_ =	shalt  }
0x6c: {  	_ =	shalt  }
0x6d: {  	_ =	shalt  }
0x6e: {  	_ =	shalt  }
0x6f: {  	_ =	shalt  }
0x70: {  	_ =	shalt  }
0x71: {  	_ =	shalt  }
0x72: {  	_ =	shalt  }
0x73: {  	_ =	shalt  }
0x74: {  	_ =	shalt  }
0x75: {  	_ =	shalt  }
0x76: {  	_ =	shalt  }
0x77: {  	_ =	shalt  }
0x78: {  	_ =	shalt  }
0x79: {  	_ =	shalt  }
0x7a: {  	_ =	shalt  }
0x7b: {  	_ =	shalt  }
0x7c: {  	_ =	shalt  }
0x7d: {  	_ =	shalt  }
0x7e: {  	_ =	shalt  }
0x7f: {  	_ =	shalt  }
0x80: {  	_ =	shalt  }
0x81: {  	_ =	shalt  }
0x82: {  	_ =	shalt  }
0x83: {  	_ =	shalt  }
0x84: {  	_ =	shalt  }
0x85: {  	_ =	shalt  }
0x86: {  	_ =	shalt  }
0x87: {  	_ =	shalt  }
.Lfunc_end0:
.L_simem_size_0:
called_computation.2_lowered:
.L_overlay_start_0:
0x88: {  	s2 =	sld [smem:$0x3FD9]  }
0x89: {  	s3 =	sld [smem:$0x3FFE];
	_ =	sdelay $0x1  }
0x8a: {  	s1 =	srdreg.scid  }
0x8b: {  	s0 =	sand.u32 $0x1, s1  }
0x8c: {  	s17 =	sshll.u32 s0, $0xA;
	s2 =	sadd.s32 s3, s2  }
0x8d: {  	s2 =	sadd.s32 s2, s17  }
0x8e: {  	[smem:$0x3FC0] =	sst s2  }
0x8f: {  	_ = 	snop  }
0x90: {  	s2 =	sld [smem:$0x3FD0];
	(tm) =	ssettm $0x1  }
0x91: {  	s18 =	sld [smem:$0x3FFB];
	_ =	sdelay $0x3  }
0x92: {  	_ =	strace s18  }
0x93: {  	s3 =	sld [smem:$0x3FFC];
	_ =	sdelay $0x3  }
0x94: {  	_ =	strace s3  }
0x95: {  	s3 =	sld [smem:$0x3FFD];
	_ =	sdelay $0x3  }
0x96: {  	_ =	strace s3  }
0x97: {  	_ =	strace $0x8FFFFFFF  }
0x98: {  	s19 =	sld [smem:$0x3FDB];
	_ =	sdelay $0x1  }
0x99: {  	s4 =	simm.s32 $_scs_section_size  }
0x9a: {  	s5 =	simm.s32 $_size__tile_overlayer_lowered;
	s6 =	simm.s32 $_tile_overlayer_lowered  }
0x9b: {  	s22 =	simm.s32 $0x1BFF;
	s21 =	sshll.u32 s6, $0x1;
	s3 =	sadd.s32 s4, s19  }
0x9c: {  	s7 =	simm.s32 $0x0;
	s20 =	sshll.u32 s5, $0x1;
	s5 =	sadd.s32 s21, s3  }
0x9d: {  	[timem:s7], [sflag:s22] =	dma.local [hbm:s5], s20  }
0x9e: {  	_ =	swait.ge [sflag:s22], s20  }
0x9f: {  	s4 =	ssub.s32 $0x0, s20;
	[sflag:s22] =	ssyncset.done $0x0  }
0xa0: {  	[sflag:s22] =	ssyncadd.s32 s4;
	_ =	sdelay $0x1  }
0xa1: {  	s23 =	simm.s32 $0x1B8B  }
0xa2: {  	_ =	swait.ge [sflag:s23], $0x1  }
0xa3: {  	[sflag:s23] =	ssyncset.done $0x0  }
0xa4: {  	s25 =	simm.s32 $0x1B8E;
	s24 =	sld [smem:$0x3FFE];
	[sflag:s23] =	ssyncadd.s32 $0xFFFFFFFF  }
0xa5: {  	s26 =	simm.s32 $execute0_lowered;
	[smem:$0x3FD2] =	sst s25  }
0xa6: {  	s5 =	sshll.u32 s26, $0x1;
	_ =	strace $0x8000004C;
	[dreg:$0x1] =	wrdreg $0xFFFFFFFF  }
0xa7: {  	s28 =	simm.s32 $_size_execute0_lowered;
	s3 =	sadd.s32 s3, s5;
	[dreg:$0x0] =	wrdreg $0x0  }
0xa8: {  	s5 =	sshll.u32 s28, $0x1;
	[dreg:$0x2] =	wrdreg s3  }
0xa9: {  	[dreg:$0x3] =	wrdreg s5  }
0xaa: {  	[dreg:$0x4] =	wrdreg $0xC0  }
0xab: {  	_ =	task [dreg:s7], $0x5FFFF  }
0xac: {  	[dreg:$0x1] =	wrdreg $0xFFFFFFFF  }
0xad: {  	[dreg:$0x0] =	wrdreg $0x60  }
0xae: {  	[dreg:$0x2] =	wrdreg s24  }
0xaf: {  	[dreg:$0x3] =	wrdreg s2  }
0xb0: {  	[dreg:$0x4] =	wrdreg $0x88000  }
0xb1: {  	[dreg:$0x5] =	wrdreg $0x9  }
0xb2: {  	_ =	task.clear_ibuf [dreg:s7], $0x6FFFF;
	_ =	strace $0x9000004C  }
0xb3: {  	s29 =	simm.s32 $0x9;
	_ =	strace $0x8000004E  }
0xb4: {  	_ =	swait.ge [sflag:s29], $0x1  }
0xb5: {  	[sflag:s29] =	ssyncadd.s32 $0xFFFFFFFF  }
0xb6: {  	_ =	strace $0x9000004E  }
0xb7: {  	_ =	sfence  }
0xb8: {  	s30 =	sld [smem:$0x0];
	_ =	sdelay $0x2  }
0xb9: {  	s31 =	sshll.u32 s1, $0xD;
	s1 =	sshrl.u32 s1, $0x2  }
0xba: {  	s3 =	sand.u32 $0x4000, s31;
	s1 =	sadd.s32 s1, s30  }
0xbb: {  	s0 =	sor.u32 s3, s0;
	s1 =	sshll.u32 s1, $0x11  }
0xbc: {  	s0 =	sor.u32 s1, s0  }
0xbd: {  	s0 =	sadd.s32 $0x8F2B, s0  }
0xbe: {  	[sflag:s0] =	ssyncadd.remote.s32 $0x1  }
0xbf: {  	_ =	sfence.sel $0xFFFF  }
0xc0: {  	[dreg:$0x0] =	wrdreg $0xFFFFFFFF;
	(pc) =	sbr.abs _section_cstart, $3  }
0xc1: {  	[dreg:$0x1] =	wrdreg $0xFFFFFFFF  }
0xc2: {  	_ =	task.clear_ibuf [dreg:s7], $0x2FFFF;
	_ =	strace $0x9FFFFFFF  }
0xc3: {  	(tm) =	ssettm $0x7FFFFFFF  }
tec
execute0_lowered:
.L_overlay_start_1:
0x0: {  	(tag) =	ssettag $0x1  }
0x1: {  	s0 =	rddreg [dreg:$0x0]  }
0x2: {  	s1 =	srdreg.scid;
	s10 =	stileid.u32  }
0x3: {  	s2 =	simm.s32 $0x98;
	s3 =	rddreg [dreg:$0x2];
	s4 =	simm.s32 $0x0  }
0x4: {  	s28 =	simm.s32 $0x2;
	s29 =	simm.s32 $0x480;
	s30 =	simm.s32 $0x180  }
0x5: {  	s31 =	simm.s32 $0x500;
	s13 =	simm.s32 $0x300;
	s8 =	smul.u32 $0x280, s10  }
0x6: {  	s14 =	simm.s32 $0x680;
	s1 =	sand.u32 $0x1, s1;
	s16 =	smul.u32 $0x50000, s10  }
0x7: {  	[smem:$0x7FF] =	sst s4;
	s5 =	sadd.s32 $0x16A00, s0;
	s6 =	smul.u32 $0x980, s1  }
0x8: {  	p0 =	seq.s32 s1, $0x0;
	s9 =	smul.u32 $0x2800, s1;
	s1 =	ssub.s32 $0x2, s1  }
0x9: {  	_ =	strace $0x8000004D;
	s2 =	simm.s32 @!p0 $0x8;
	s19 =	sshrl.u32 s1, $0x1  }
0xa: {  	s20 =	sshrl.u32 s16, $0x2;
	s16 =	simm.s32 $0x700;
	s7 =	smul.u32 s10, s2  }
0xb: {  	s15 =	sadd.s32 s9, s8;
	s1 =	ssub.s32 s1, s19;
	s12 =	sadd.s32 s20, s3  }
0xc: {  	s2 =	sshrl.u32 s2, $0x3;
	s20 =	simm.s32 $0x800;
	s8 =	simm.s32 $0x600  }
0xd: {  	[dreg:$0x4] =	wrdreg s2;
	s1 =	smax.u32 s1, $0x1;
	s6 =	sadd.s32 s6, s7  }
0xe: {  	s18 =	sshll.u32 s15, $0x4;
	[dreg:$0x5] =	wrdreg s1;
	s6 =	sshll.u32 s6, $0x4  }
0xf: {  	s17 =	sadd.s32 s6, s0;
	s0 =	sadd.s32 s18, s0;
	s6 =	sadd.s32 $0x10000, s12  }
0x10: {  	s19 =	sadd.s32 $0x8000, s12;
	s21 =	sadd.s32 $0x3EA00, s0;
	[dreg:$0x6] =	wrdreg s6  }
0x11: {  	s11 =	sadd.s32 $0xC000, s12;
	s22 =	sadd.s32 $0x3F200, s0;
	[dreg:$0x7] =	wrdreg s21  }
0x12: {  	s2 =	simm.s32 $0x200;
	s23 =	sadd.s32 $0x3FA00, s0;
	[dreg:$0x8] =	wrdreg s22  }
0x13: {  	s15 =	simm.s32 $0x380;
	s24 =	sadd.s32 $0x40200, s0;
	[dreg:$0x9] =	wrdreg s23  }
0x14: {  	s1 =	simm.s32 $0x280;
	s0 =	sadd.s32 $0x40A00, s0;
	[dreg:$0xa] =	wrdreg s24  }
0x15: {  	s7 =	simm.s32 $0x0;
	s25 =	sadd.s32 $0xCA00, s17;
	[dreg:$0xb] =	wrdreg s0  }
0x16: {  	s18 =	sadd.s32 $0x4000, s12;
	s26 =	sadd.s32 $0x2A00, s17;
	[dreg:$0xc] =	wrdreg s25  }
0x17: {  	s17 =	simm.s32 $0x780;
	[dreg:$0xd] =	wrdreg s26;
	s21 =	simm.s32 $0x3  }
0x18: {  	s22 =	simm.s32 $0x400;
	s23 =	simm.s32 $0x80;
	s24 =	simm.s32 $0x4800  }
0x19: {  	s25 =	simm.s32 $0x1;
	s26 =	simm.s32 $0x100;
	s0 =	simm.s32 $0x580  }
.LBB2_1:
0x1a: {  	s9 =	rddreg [dreg:$0x1]  }
0x1b: {  	[tilespmem:s20], [sflag:$0x3] =	stream.linear.gather [hbm4b:s9+s4], $0x4000, $0x38;
	[tilespmem:$0x1C800] =	vst v63  }
0x1c: {  	_ =	swait.ge [sflag:s21], $0x4000  }
0x1d: {  	[sflag:s21] =	ssyncset.done $0x0  }
0x1e: {  	[sflag:s21] =	ssyncadd.s32 $0xFFFFC000  }
0x1f: {  	[spmem:s12] =	stream.linear.scatter [tilespmem:s20], [sflag:$0x3], $0x4000, $0x38;
	[tilespmem:$0x1C800] =	vst v63  }
0x20: {  	_ =	swait.ge [sflag:s21], $0x4000  }
0x21: {  	[sflag:s21] =	ssyncset.done $0x0  }
0x22: {  	[sflag:s21] =	ssyncadd.s32 $0xFFFFC000  }
0x23: {  	[spmem:s18] =	stream.linear.scatter [tilespmem:s20], [sflag:$0x3], $0x4000, $0x38;
	[tilespmem:$0x1C800] =	vst v63  }
0x24: {  	_ =	swait.ge [sflag:s21], $0x4000  }
0x25: {  	[sflag:s21] =	ssyncset.done $0x0  }
0x26: {  	[sflag:s21] =	ssyncadd.s32 $0xFFFFC000  }
0x27: {  	[spmem:s19] =	stream.linear.scatter [tilespmem:s20], [sflag:$0x3], $0x4000, $0x38;
	[tilespmem:$0x1C800] =	vst v63  }
0x28: {  	_ =	swait.ge [sflag:s21], $0x4000  }
0x29: {  	[sflag:s21] =	ssyncset.done $0x0  }
0x2a: {  	[sflag:s21] =	ssyncadd.s32 $0xFFFFC000  }
0x2b: {  	[spmem:s11] =	stream.linear.scatter [tilespmem:s20], [sflag:$0x3], $0x4000, $0x38;
	[tilespmem:$0x1C800] =	vst v63  }
0x2c: {  	_ =	swait.ge [sflag:s21], $0x4000  }
0x2d: {  	[sflag:s21] =	ssyncset.done $0x0  }
0x2e: {  	s9 =	smov.u32 s6;
	[sflag:s21] =	ssyncadd.s32 $0xFFFFC000  }
0x2f: {  	[spmem:s9] =	stream.linear.scatter [tilespmem:s20], [sflag:$0x3], $0x4000, $0x38;
	[tilespmem:$0x1C800] =	vst v63  }
0x30: {  	_ =	swait.ge [sflag:s21], $0x4000  }
0x31: {  	[sflag:s21] =	ssyncset.done $0x0  }
0x32: {  	[sflag:s21] =	ssyncadd.s32 $0xFFFFC000  }
0x33: {  	[bflag:$0x0] =	sbarrier.arrive $0xFFFF  }
0x34: {  	s6 =	smov.u32 s19;
	s19 =	rddreg [dreg:$0xd]  }
0x35: {  	[tilespmem:s4], [sflag:$0x3] =	stream.linear.gather [hbm4b:s19+s4], $0x400, $0x38;
	[tilespmem:$0x1C800] =	vst v63  }
0x36: {  	_ =	swait.ge [sflag:s21], $0x400  }
0x37: {  	s10 =	smov.u32 s12;
	[sflag:s21] =	ssyncset.done $0x0  }
0x38: {  	s12 =	smov.u32 s18;
	s18 =	rddreg [dreg:$0xc];
	[sflag:s21] =	ssyncadd.s32 $0xFFFFFC00  }
0x39: {  	[tilespmem:s22], [sflag:$0x3] =	stream.linear.gather [hbm4b:s18+s4], $0x400, $0x38;
	[tilespmem:$0x1C800] =	vst v63  }
0x3a: {  	_ =	swait.ge [sflag:s21], $0x400  }
0x3b: {  	[sflag:s21] =	ssyncset.done $0x0  }
0x3c: {  	[sflag:s21] =	ssyncadd.s32 $0xFFFFFC00  }
0x3d: {  	[tilespmem:s20], [sflag:$0x1] =	stream.indirect.gather [hbm4b:s5+s23], $0x80, s4, s23, $0xb8;
	[tilespmem:$0x1C800] =	vst v63  }
0x3e: {  	_ = 	snop  }
0x3f: {  	[tilespmem:s24], [sflag:$0x2] =	stream.indirect.gather [hbm4b:s5+s23], $0x80, s23, s23, $0xb8;
	[tilespmem:$0x1C800] =	vst v63  }
0x40: {  	_ =	swait.ge [sflag:s25], $0x4000  }
0x41: {  	[sflag:s25] =	ssyncset.done $0x0  }
0x42: {  	[sflag:s25] =	ssyncadd.s32 $0xFFFFC000  }
0x43: {  	[spmem:s3] =	stream.indirect.scatter.add.f32 [tilespmem:s20], [sflag:$0x3], $0x80, s22, s23, $0xb8;
	[tilespmem:$0x1C800] =	vst v63  }
0x44: {  	_ =	swait.ge [sflag:s21], $0x4000  }
0x45: {  	[sflag:s21] =	ssyncset.done $0x0  }
0x46: {  	[sflag:s21] =	ssyncadd.s32 $0xFFFFC000  }
0x47: {  	[tilespmem:s20], [sflag:$0x1] =	stream.indirect.gather [hbm4b:s5+s23], $0x80, s26, s23, $0xb8;
	[tilespmem:$0x1C800] =	vst v63  }
0x48: {  	_ =	swait.ge [sflag:s28], $0x4000  }
0x49: {  	[sflag:s28] =	ssyncset.done $0x0  }
0x4a: {  	[sflag:s28] =	ssyncadd.s32 $0xFFFFC000  }
0x4b: {  	[spmem:s3] =	stream.indirect.scatter.add.f32 [tilespmem:s24], [sflag:$0x3], $0x80, s29, s23, $0xb8;
	[tilespmem:$0x1C800] =	vst v63  }
0x4c: {  	_ =	swait.ge [sflag:s21], $0x4000  }
0x4d: {  	[sflag:s21] =	ssyncset.done $0x0  }
0x4e: {  	[sflag:s21] =	ssyncadd.s32 $0xFFFFC000  }
0x4f: {  	[tilespmem:s24], [sflag:$0x2] =	stream.indirect.gather [hbm4b:s5+s23], $0x80, s30, s23, $0xb8;
	[tilespmem:$0x1C800] =	vst v63  }
0x50: {  	_ =	swait.ge [sflag:s25], $0x4000  }
0x51: {  	[sflag:s25] =	ssyncset.done $0x0  }
0x52: {  	[sflag:s25] =	ssyncadd.s32 $0xFFFFC000  }
0x53: {  	[spmem:s3] =	stream.indirect.scatter.add.f32 [tilespmem:s20], [sflag:$0x3], $0x80, s31, s23, $0xb8;
	[tilespmem:$0x1C800] =	vst v63  }
0x54: {  	_ =	swait.ge [sflag:s21], $0x4000  }
0x55: {  	[sflag:s21] =	ssyncset.done $0x0  }
0x56: {  	[sflag:s21] =	ssyncadd.s32 $0xFFFFC000  }
0x57: {  	[tilespmem:s20], [sflag:$0x1] =	stream.indirect.gather [hbm4b:s5+s23], $0x80, s2, s23, $0xb8;
	[tilespmem:$0x1C800] =	vst v63  }
0x58: {  	_ =	swait.ge [sflag:s28], $0x4000  }
0x59: {  	[sflag:s28] =	ssyncset.done $0x0  }
0x5a: {  	[sflag:s28] =	ssyncadd.s32 $0xFFFFC000  }
0x5b: {  	[spmem:s3] =	stream.indirect.scatter.add.f32 [tilespmem:s24], [sflag:$0x3], $0x80, s0, s23, $0xb8;
	[tilespmem:$0x1C800] =	vst v63  }
0x5c: {  	_ =	swait.ge [sflag:s21], $0x4000  }
0x5d: {  	[sflag:s21] =	ssyncset.done $0x0  }
0x5e: {  	[sflag:s21] =	ssyncadd.s32 $0xFFFFC000  }
0x5f: {  	[tilespmem:s24], [sflag:$0x2] =	stream.indirect.gather [hbm4b:s5+s23], $0x80, s1, s23, $0xb8;
	[tilespmem:$0x1C800] =	vst v63  }
0x60: {  	_ =	swait.ge [sflag:s25], $0x4000  }
0x61: {  	[sflag:s25] =	ssyncset.done $0x0  }
0x62: {  	[sflag:s25] =	ssyncadd.s32 $0xFFFFC000  }
0x63: {  	[spmem:s3] =	stream.indirect.scatter.add.f32 [tilespmem:s20], [sflag:$0x3], $0x80, s8, s23, $0xb8;
	[tilespmem:$0x1C800] =	vst v63  }
0x64: {  	_ =	swait.ge [sflag:s21], $0x4000  }
0x65: {  	[sflag:s21] =	ssyncset.done $0x0  }
0x66: {  	[sflag:s21] =	ssyncadd.s32 $0xFFFFC000  }
0x67: {  	[tilespmem:s20], [sflag:$0x1] =	stream.indirect.gather [hbm4b:s5+s23], $0x80, s13, s23, $0xb8;
	[tilespmem:$0x1C800] =	vst v63  }
0x68: {  	_ =	swait.ge [sflag:s28], $0x4000  }
0x69: {  	[sflag:s28] =	ssyncset.done $0x0  }
0x6a: {  	[sflag:s28] =	ssyncadd.s32 $0xFFFFC000  }
0x6b: {  	[spmem:s3] =	stream.indirect.scatter.add.f32 [tilespmem:s24], [sflag:$0x3], $0x80, s14, s23, $0xb8;
	[tilespmem:$0x1C800] =	vst v63  }
0x6c: {  	_ =	swait.ge [sflag:s21], $0x4000  }
0x6d: {  	[sflag:s21] =	ssyncset.done $0x0  }
0x6e: {  	[sflag:s21] =	ssyncadd.s32 $0xFFFFC000  }
0x6f: {  	[tilespmem:s24], [sflag:$0x2] =	stream.indirect.gather [hbm4b:s5+s23], $0x80, s15, s23, $0xb8;
	[tilespmem:$0x1C800] =	vst v63  }
0x70: {  	_ =	swait.ge [sflag:s25], $0x4000  }
0x71: {  	[sflag:s25] =	ssyncset.done $0x0  }
0x72: {  	[sflag:s25] =	ssyncadd.s32 $0xFFFFC000  }
0x73: {  	[spmem:s3] =	stream.indirect.scatter.add.f32 [tilespmem:s20], [sflag:$0x3], $0x80, s16, s23, $0xb8;
	[tilespmem:$0x1C800] =	vst v63  }
0x74: {  	_ =	swait.ge [sflag:s21], $0x4000  }
0x75: {  	[sflag:s21] =	ssyncset.done $0x0  }
0x76: {  	[sflag:s21] =	ssyncadd.s32 $0xFFFFC000  }
0x77: {  	_ =	swait.ge [sflag:s28], $0x4000  }
0x78: {  	s9 =	rddreg [dreg:$0x4]  }
0x79: {  	p0 =	sne.s32 s9, $0x1  }
.Ltmp0:
0x7a: {  	[sflag:s28] =	ssyncset.done $0x0;
	(pc) =	sbr.rel @!p0 .LBB2_3-.Ltmp0, $4  }
0x7b: {  	[sflag:s28] =	ssyncadd.s32 $0xFFFFC000  }
0x7c: {  	[spmem:s3] =	stream.indirect.scatter.add.f32 [tilespmem:s24], [sflag:$0x3], $0x80, s17, s23, $0xb8;
	[tilespmem:$0x1C800] =	vst v63  }
0x7d: {  	_ =	swait.ge [sflag:s21], $0x4000  }
0x7e: {  	s9 =	sadd.s32 $0xFFFFFFFF, s9;
	[sflag:s21] =	ssyncset.done $0x0  }
.LBB2_2:
0x7f: {  	[sflag:s21] =	ssyncadd.s32 $0xFFFFC000;
	s18 =	sadd.s32 $0x80, s18;
	s19 =	sadd.s32 $0x80, s19  }
0x80: {  	[tilespmem:s4], [sflag:$0x3] =	stream.linear.gather [hbm4b:s19+s4], $0x400, $0x38;
	[tilespmem:$0x1C800] =	vst v63  }
0x81: {  	p0 =	sne.s32 s9, $0x1;
	s9 =	sadd.s32 $0xFFFFFFFF, s9;
	_ =	swait.ge [sflag:s21], $0x400  }
0x82: {  	[sflag:s21] =	ssyncset.done $0x0  }
0x83: {  	[sflag:s21] =	ssyncadd.s32 $0xFFFFFC00  }
0x84: {  	[tilespmem:s22], [sflag:$0x3] =	stream.linear.gather [hbm4b:s18+s4], $0x400, $0x38;
	[tilespmem:$0x1C800] =	vst v63  }
0x85: {  	_ =	swait.ge [sflag:s21], $0x400  }
0x86: {  	[sflag:s21] =	ssyncset.done $0x0  }
0x87: {  	[sflag:s21] =	ssyncadd.s32 $0xFFFFFC00  }
0x88: {  	[tilespmem:s20], [sflag:$0x1] =	stream.indirect.gather [hbm4b:s5+s23], $0x80, s4, s23, $0xb8;
	[tilespmem:$0x1C800] =	vst v63  }
0x89: {  	_ = 	snop  }
0x8a: {  	[tilespmem:s24], [sflag:$0x2] =	stream.indirect.gather [hbm4b:s5+s23], $0x80, s23, s23, $0xb8;
	[tilespmem:$0x1C800] =	vst v63  }
0x8b: {  	_ =	swait.ge [sflag:s25], $0x4000  }
0x8c: {  	[sflag:s25] =	ssyncset.done $0x0  }
0x8d: {  	[sflag:s25] =	ssyncadd.s32 $0xFFFFC000  }
0x8e: {  	[spmem:s3] =	stream.indirect.scatter.add.f32 [tilespmem:s20], [sflag:$0x3], $0x80, s22, s23, $0xb8;
	[tilespmem:$0x1C800] =	vst v63  }
0x8f: {  	_ =	swait.ge [sflag:s21], $0x4000  }
0x90: {  	[sflag:s21] =	ssyncset.done $0x0  }
0x91: {  	[sflag:s21] =	ssyncadd.s32 $0xFFFFC000  }
0x92: {  	[tilespmem:s20], [sflag:$0x1] =	stream.indirect.gather [hbm4b:s5+s23], $0x80, s26, s23, $0xb8;
	[tilespmem:$0x1C800] =	vst v63  }
0x93: {  	_ =	swait.ge [sflag:s28], $0x4000  }
0x94: {  	[sflag:s28] =	ssyncset.done $0x0  }
0x95: {  	[sflag:s28] =	ssyncadd.s32 $0xFFFFC000  }
0x96: {  	[spmem:s3] =	stream.indirect.scatter.add.f32 [tilespmem:s24], [sflag:$0x3], $0x80, s29, s23, $0xb8;
	[tilespmem:$0x1C800] =	vst v63  }
0x97: {  	_ =	swait.ge [sflag:s21], $0x4000  }
0x98: {  	[sflag:s21] =	ssyncset.done $0x0  }
0x99: {  	[sflag:s21] =	ssyncadd.s32 $0xFFFFC000  }
0x9a: {  	[tilespmem:s24], [sflag:$0x2] =	stream.indirect.gather [hbm4b:s5+s23], $0x80, s30, s23, $0xb8;
	[tilespmem:$0x1C800] =	vst v63  }
0x9b: {  	_ =	swait.ge [sflag:s25], $0x4000  }
0x9c: {  	[sflag:s25] =	ssyncset.done $0x0  }
0x9d: {  	[sflag:s25] =	ssyncadd.s32 $0xFFFFC000  }
0x9e: {  	[spmem:s3] =	stream.indirect.scatter.add.f32 [tilespmem:s20], [sflag:$0x3], $0x80, s31, s23, $0xb8;
	[tilespmem:$0x1C800] =	vst v63  }
0x9f: {  	_ =	swait.ge [sflag:s21], $0x4000  }
0xa0: {  	[sflag:s21] =	ssyncset.done $0x0  }
0xa1: {  	[sflag:s21] =	ssyncadd.s32 $0xFFFFC000  }
0xa2: {  	[tilespmem:s20], [sflag:$0x1] =	stream.indirect.gather [hbm4b:s5+s23], $0x80, s2, s23, $0xb8;
	[tilespmem:$0x1C800] =	vst v63  }
0xa3: {  	_ =	swait.ge [sflag:s28], $0x4000  }
0xa4: {  	[sflag:s28] =	ssyncset.done $0x0  }
0xa5: {  	[sflag:s28] =	ssyncadd.s32 $0xFFFFC000  }
0xa6: {  	[spmem:s3] =	stream.indirect.scatter.add.f32 [tilespmem:s24], [sflag:$0x3], $0x80, s0, s23, $0xb8;
	[tilespmem:$0x1C800] =	vst v63  }
0xa7: {  	_ =	swait.ge [sflag:s21], $0x4000  }
0xa8: {  	[sflag:s21] =	ssyncset.done $0x0  }
0xa9: {  	[sflag:s21] =	ssyncadd.s32 $0xFFFFC000  }
0xaa: {  	[tilespmem:s24], [sflag:$0x2] =	stream.indirect.gather [hbm4b:s5+s23], $0x80, s1, s23, $0xb8;
	[tilespmem:$0x1C800] =	vst v63  }
0xab: {  	_ =	swait.ge [sflag:s25], $0x4000  }
0xac: {  	[sflag:s25] =	ssyncset.done $0x0  }
0xad: {  	[sflag:s25] =	ssyncadd.s32 $0xFFFFC000  }
0xae: {  	[spmem:s3] =	stream.indirect.scatter.add.f32 [tilespmem:s20], [sflag:$0x3], $0x80, s8, s23, $0xb8;
	[tilespmem:$0x1C800] =	vst v63  }
0xaf: {  	_ =	swait.ge [sflag:s21], $0x4000  }
0xb0: {  	[sflag:s21] =	ssyncset.done $0x0  }
0xb1: {  	[sflag:s21] =	ssyncadd.s32 $0xFFFFC000  }
0xb2: {  	[tilespmem:s20], [sflag:$0x1] =	stream.indirect.gather [hbm4b:s5+s23], $0x80, s13, s23, $0xb8;
	[tilespmem:$0x1C800] =	vst v63  }
0xb3: {  	_ =	swait.ge [sflag:s28], $0x4000  }
0xb4: {  	[sflag:s28] =	ssyncset.done $0x0  }
0xb5: {  	[sflag:s28] =	ssyncadd.s32 $0xFFFFC000  }
0xb6: {  	[spmem:s3] =	stream.indirect.scatter.add.f32 [tilespmem:s24], [sflag:$0x3], $0x80, s14, s23, $0xb8;
	[tilespmem:$0x1C800] =	vst v63  }
0xb7: {  	_ =	swait.ge [sflag:s21], $0x4000  }
0xb8: {  	[sflag:s21] =	ssyncset.done $0x0  }
0xb9: {  	[sflag:s21] =	ssyncadd.s32 $0xFFFFC000  }
0xba: {  	[tilespmem:s24], [sflag:$0x2] =	stream.indirect.gather [hbm4b:s5+s23], $0x80, s15, s23, $0xb8;
	[tilespmem:$0x1C800] =	vst v63  }
0xbb: {  	_ =	swait.ge [sflag:s25], $0x4000  }
0xbc: {  	[sflag:s25] =	ssyncset.done $0x0  }
0xbd: {  	[sflag:s25] =	ssyncadd.s32 $0xFFFFC000  }
0xbe: {  	[spmem:s3] =	stream.indirect.scatter.add.f32 [tilespmem:s20], [sflag:$0x3], $0x80, s16, s23, $0xb8;
	[tilespmem:$0x1C800] =	vst v63  }
0xbf: {  	_ =	swait.ge [sflag:s21], $0x4000  }
0xc0: {  	[sflag:s21] =	ssyncset.done $0x0  }
0xc1: {  	[sflag:s21] =	ssyncadd.s32 $0xFFFFC000  }
0xc2: {  	_ =	swait.ge [sflag:s28], $0x4000  }
.Ltmp1:
0xc3: {  	[sflag:s28] =	ssyncset.done $0x0;
	(pc) =	sbr.rel @p0 .LBB2_2-.Ltmp1, $4  }
0xc4: {  	[sflag:s28] =	ssyncadd.s32 $0xFFFFC000  }
0xc5: {  	[spmem:s3] =	stream.indirect.scatter.add.f32 [tilespmem:s24], [sflag:$0x3], $0x80, s17, s23, $0xb8;
	[tilespmem:$0x1C800] =	vst v63  }
0xc6: {  	_ =	swait.ge [sflag:s21], $0x4000  }
0xc7: {  	[sflag:s21] =	ssyncset.done $0x0  }
.LBB2_3:
0xc8: {  	[sflag:s21] =	ssyncadd.s32 $0xFFFFC000  }
0xc9: {  	[bflag:$0x0] =	sbarrier.arrive $0xFFFF  }
0xca: {  	[tilespmem:s20], [sflag:$0x3] =	stream.linear.gather [spmem:s10], $0x4000, $0x38;
	[tilespmem:$0x1C800] =	vst v63  }
0xcb: {  	_ =	swait.ge [sflag:s21], $0x4000  }
0xcc: {  	[sflag:s21] =	ssyncset.done $0x0  }
0xcd: {  	s9 =	rddreg [dreg:$0x7];
	[sflag:s21] =	ssyncadd.s32 $0xFFFFC000  }
0xce: {  	[hbm4b:s9+s4] =	stream.linear.scatter [tilespmem:s20], [sflag:$0x3], $0x4000, $0x38;
	[tilespmem:$0x1C800] =	vst v63  }
0xcf: {  	_ =	swait.ge [sflag:s21], $0x4000  }
0xd0: {  	[sflag:s21] =	ssyncset.done $0x0  }
0xd1: {  	[sflag:s21] =	ssyncadd.s32 $0xFFFFC000  }
0xd2: {  	[tilespmem:s20], [sflag:$0x3] =	stream.linear.gather [spmem:s12], $0x4000, $0x38;
	[tilespmem:$0x1C800] =	vst v63  }
0xd3: {  	_ =	swait.ge [sflag:s21], $0x4000  }
0xd4: {  	[sflag:s21] =	ssyncset.done $0x0  }
0xd5: {  	s19 =	rddreg [dreg:$0x8];
	[sflag:s21] =	ssyncadd.s32 $0xFFFFC000  }
0xd6: {  	[hbm4b:s19+s4] =	stream.linear.scatter [tilespmem:s20], [sflag:$0x3], $0x4000, $0x38;
	[tilespmem:$0x1C800] =	vst v63  }
0xd7: {  	_ =	swait.ge [sflag:s21], $0x4000  }
0xd8: {  	[sflag:s21] =	ssyncset.done $0x0  }
0xd9: {  	[sflag:s21] =	ssyncadd.s32 $0xFFFFC000  }
0xda: {  	[tilespmem:s20], [sflag:$0x3] =	stream.linear.gather [spmem:s6], $0x4000, $0x38;
	[tilespmem:$0x1C800] =	vst v63  }
0xdb: {  	_ =	swait.ge [sflag:s21], $0x4000  }
0xdc: {  	s18 =	smov.u32 s12;
	[sflag:s21] =	ssyncset.done $0x0  }
0xdd: {  	s12 =	smov.u32 s10;
	s10 =	rddreg [dreg:$0x9];
	[sflag:s21] =	ssyncadd.s32 $0xFFFFC000  }
0xde: {  	[hbm4b:s10+s4] =	stream.linear.scatter [tilespmem:s20], [sflag:$0x3], $0x4000, $0x38;
	[tilespmem:$0x1C800] =	vst v63  }
0xdf: {  	_ =	swait.ge [sflag:s21], $0x4000  }
0xe0: {  	[sflag:s21] =	ssyncset.done $0x0  }
0xe1: {  	[sflag:s21] =	ssyncadd.s32 $0xFFFFC000  }
0xe2: {  	[tilespmem:s20], [sflag:$0x3] =	stream.linear.gather [spmem:s11], $0x4000, $0x38;
	[tilespmem:$0x1C800] =	vst v63  }
0xe3: {  	_ =	swait.ge [sflag:s21], $0x4000  }
0xe4: {  	[sflag:s21] =	ssyncset.done $0x0  }
0xe5: {  	s9 =	rddreg [dreg:$0xa];
	[sflag:s21] =	ssyncadd.s32 $0xFFFFC000  }
0xe6: {  	[hbm4b:s9+s4] =	stream.linear.scatter [tilespmem:s20], [sflag:$0x3], $0x4000, $0x38;
	[tilespmem:$0x1C800] =	vst v63  }
0xe7: {  	_ =	swait.ge [sflag:s21], $0x4000  }
0xe8: {  	[sflag:s21] =	ssyncset.done $0x0  }
0xe9: {  	s19 =	smov.u32 s6;
	s6 =	rddreg [dreg:$0x6];
	[sflag:s21] =	ssyncadd.s32 $0xFFFFC000  }
0xea: {  	[tilespmem:s20], [sflag:$0x3] =	stream.linear.gather [spmem:s6], $0x4000, $0x38;
	[tilespmem:$0x1C800] =	vst v63  }
0xeb: {  	_ =	swait.ge [sflag:s21], $0x4000  }
0xec: {  	[sflag:s21] =	ssyncset.done $0x0  }
0xed: {  	s10 =	rddreg [dreg:$0xb];
	[sflag:s21] =	ssyncadd.s32 $0xFFFFC000  }
0xee: {  	[hbm4b:s10+s4] =	stream.linear.scatter [tilespmem:s20], [sflag:$0x3], $0x4000, $0x38;
	[tilespmem:$0x1C800] =	vst v63  }
0xef: {  	_ =	swait.ge [sflag:s21], $0x4000  }
0xf0: {  	s7 =	sadd.s32 $0x1, s7;
	s10 =	rddreg [dreg:$0x5]  }
0xf1: {  	p0 =	sne.s32 s7, s10  }
.Ltmp2:
0xf2: {  	_ = 	snop;
	(pc) =	sbr.rel @p0 .LBB2_1-.Ltmp2, $3  }
0xf3: {  	_ =	sdelay $0x1  }
0xf4: {  	[sflag:s21] =	ssyncset.done $0x0  }
0xf5: {  	[sflag:s21] =	ssyncadd.s32 $0xFFFFC000  }
0xf6: {  	_ =	sfence.sel $0x180000  }
0xf7: {  	[bflag:$0x0] =	sbarrier.arrive $0xFFFF  }
0xf8: {  	_ =	strace $0x9000004D  }
0xf9: {  	s0 =	stileid.u32;
	[bflag:$0x2] =	sbarrier.arrive $0xFFFF  }
0xfa: {  	p0 =	sne.s32 s0, $0x0;
	s0 =	rddreg [dreg:$0x3]  }
0xfb: {  	s0 =	sadd.s32 @!p0 $0x100000, s0  }
0xfc: {  	[sflag:s0] =	ssyncadd.tile.s32 @!p0 $0x1;
	_ =	shalt  }
.Lfunc_end2:
_tile_overlayer_lowered:
.L_overlay_start_2:
0xfd: {  	(tag) =	ssettag $0x2  }
0xfe: {  	s0 =	rddreg [dreg:$0x0];
	s2 =	stileid.u32  }
0xff: {  	s1 =	rddreg [dreg:$0x1];
	p0 =	sne.s32 s2, $0x0  }
0x100: {  	s3 =	rddreg [dreg:$0x2];
	[bflag:$0x3] =	sbarrier.arrive $0xFFFF;
	s2 =	simm.s32 @!p0 $0x1C03  }
0x101: {  	[timem:s3], [sflag:s2] =	dma.local @!p0 [hbm:s0], s1  }
0x102: {  	s0 =	simm.s32 @!p0 $0x3  }
0x103: {  	_ =	swait.ge @!p0 [sflag:s0], s1  }
0x104: {  	s1 =	ssub.s32 @!p0 $0x0, s1;
	[sflag:s0] =	ssyncset.done @!p0 $0x0  }
0x105: {  	[sflag:s0] =	ssyncadd.s32 @!p0 s1  }
0x106: {  	[bflag:$0x3] =	sbarrier.arrive $0xFFFF  }
0x107: {  	_ =	shalt  }

// kernel: kernel.9.cloned.1.call-start
scs
__scs_entry_jumppad:
0x0: {  	(pc) =	sbr.rel $0x88, $3  }
0x1: {  	(tag) =	ssettag $0x0;
	lr =	simm.s32 $0x1  }
0x2: {  	[smem:$0x3F99] =	sst lr;
	_ =	strace $0xD0000000  }
0x3: {  	_ = 	snop  }
0x4: {  	_ = 	snop  }
0x5: {  	_ = 	snop  }
0x6: {  	_ = 	snop  }
0x7: {  	_ = 	snop  }
__scs_overlays_trampoline_lowered:
0x8: {  	[smem:$0x3FA8] =	sst s0  }
0x9: {  	[smem:$0x3FA9] =	sst s1  }
0xa: {  	[smem:$0x3FAA] =	sst s2  }
0xb: {  	[smem:$0x3FAB] =	sst s3  }
0xc: {  	[smem:$0x3FAC] =	sst s4  }
0xd: {  	[smem:$0x3FAD] =	sst s5  }
0xe: {  	[smem:$0x3FAE] =	sst s6  }
0xf: {  	[smem:$0x3FAF] =	sst s7  }
0x10: {  	[smem:$0x3FB0] =	sst s8  }
0x11: {  	[smem:$0x3FB1] =	sst s9;
	s0 =	simm.s32 @!p0 $0x0  }
0x12: {  	s1 =	sld [smem:$0x3F97];
	s0 =	simm.s32 @p0 $0x1  }
0x13: {  	[smem:$0x3FB2] =	sst s0;
	s0 =	simm.s32 @!p1 $0x0  }
0x14: {  	s2 =	sld [smem:$0x3F96];
	s0 =	simm.s32 @p1 $0x1  }
0x15: {  	[smem:$0x3FB3] =	sst s0;
	s0 =	simm.s32 @!p2 $0x0  }
0x16: {  	s3 =	sld [smem:$0x3FDB];
	s0 =	simm.s32 @p2 $0x1  }
0x17: {  	s4 =	simm.s32 $0x1BF5;
	[smem:$0x3FB5] =	sst s0  }
0x18: {  	s0 =	sld [smem:$0x3F98];
	_ =	swait.ge [sflag:s4], $0x0  }
0x19: {  	s7 =	sld [smem:$0x3F99]  }
0x1a: {  	s8 =	sadd.s32 $0xFFFFE003, lr  }
0x1b: {  	s9 =	sadd.s32 $0xFFFFFEF7, lr;
	s5 =	simm.s32 $0xFFFFFFFF;
	p2 =	slt.u32 s8, $0xFFFFF086  }
0x1c: {  	p1 =	slt.u32 s9, $0xF7A;
	s5 =	simm.s32 @!p2 $0x0  }
0x1d: {  	s5 =	simm.s32 @p1 $0x1;
	p0 =	seq.s32 s7, s2  }
0x1e: {  	s7 =	smul.u32 @!p0 $0xF7A, s2;
	p2 =	seq.s32 @!p0 s5, $0x0  }
0x1f: {  	s9 =	smul.u32 $0xF7A, s1;
	s8 =	simm.s32 @!p0 $0x1BF5;
	p2 =	por !p2, p0  }
0x20: {  	[sflag:s8] =	ssyncset.s32 @!p0 $0xFFFFF086;
	s6 =	sadd.s32 @!p0 s3, s7;
	s7 =	simm.s32 @!p0 $0x108  }
0x21: {  	s3 =	sadd.s32 s3, s9;
	s6 =	sadd.s32 @!p0 $0x88, s6;
	s7 =	simm.s32 @p2 $0x1082  }
0x22: {  	[simem:s7], [sflag:s8] =	dma.local @!p0 [hbm:s6], $0xF7A  }
0x23: {  	s9 =	sor.u32 $0xD0000000, s2;
	s6 =	simm.s32 $0x108;
	_ =	swait.ge @!p0 [sflag:s8], $0x0  }
0x24: {  	s3 =	sadd.s32 $0x88, s3;
	s6 =	simm.s32 @!p1 $0x1082;
	[sflag:s4] =	ssyncset.s32 $0xFFFFF086  }
0x25: {  	[simem:s6], [sflag:s4] =	dma.local [hbm:s3], $0xF7A  }
0x26: {  	[smem:$0x3F99] =	sst s1;
	(tag) =	ssettag s2;
	_ =	strace s9  }
0x27: {  	s1 =	sld [smem:$0x3FA9]  }
0x28: {  	s2 =	sld [smem:$0x3FAA]  }
0x29: {  	s4 =	sld [smem:$0x3FAC]  }
0x2a: {  	p0 =	seq.s32 s5, $0x0;
	s5 =	sld [smem:$0x3FAD]  }
0x2b: {  	s6 =	sld [smem:$0x3FAE]  }
0x2c: {  	s7 =	sld [smem:$0x3FAF]  }
0x2d: {  	s3 =	simm.s32 $0x108;
	s8 =	sld [smem:$0x3FB0]  }
0x2e: {  	s3 =	simm.s32 @!p0 $0x1082;
	s9 =	sld [smem:$0x3FB1]  }
0x2f: {  	lr =	sadd.s32 s0, s3;
	s0 =	sld [smem:$0x3FA8]  }
0x30: {  	s3 =	sld [smem:$0x3FAB]  }
0x31: {  	[smem:$0x3FB4] =	sst s10  }
0x32: {  	s10 =	sld [smem:$0x3FB2];
	_ =	sdelay $0x3  }
0x33: {  	p0 =	seq.s32 s10, $0x1;
	s10 =	sld [smem:$0x3FB4];
	_ =	sdelay $0x3  }
0x34: {  	[smem:$0x3FB4] =	sst s10  }
0x35: {  	s10 =	sld [smem:$0x3FB3];
	_ =	sdelay $0x3  }
0x36: {  	p1 =	seq.s32 s10, $0x1;
	s10 =	sld [smem:$0x3FB4];
	_ =	sdelay $0x3  }
0x37: {  	[smem:$0x3FB4] =	sst s10  }
0x38: {  	s10 =	sld [smem:$0x3FB5]  }
0x39: {  	_ = 	snop;
	(pc) =	sbr.ind lr, $3  }
0x3a: {  	_ = 	snop  }
0x3b: {  	_ = 	snop  }
0x3c: {  	p2 =	seq.s32 s10, $0x1;
	s10 =	sld [smem:$0x3FB4]  }
0x3d: {  	_ =	shalt  }
0x3e: {  	_ =	shalt  }
0x3f: {  	_ =	shalt  }
0x40: {  	_ =	shalt  }
0x41: {  	_ =	shalt  }
0x42: {  	_ =	shalt  }
0x43: {  	_ =	shalt  }
0x44: {  	_ =	shalt  }
0x45: {  	_ =	shalt  }
0x46: {  	_ =	shalt  }
0x47: {  	_ =	shalt  }
0x48: {  	_ =	shalt  }
0x49: {  	_ =	shalt  }
0x4a: {  	_ =	shalt  }
0x4b: {  	_ =	shalt  }
0x4c: {  	_ =	shalt  }
0x4d: {  	_ =	shalt  }
0x4e: {  	_ =	shalt  }
0x4f: {  	_ =	shalt  }
0x50: {  	_ =	shalt  }
0x51: {  	_ =	shalt  }
0x52: {  	_ =	shalt  }
0x53: {  	_ =	shalt  }
0x54: {  	_ =	shalt  }
0x55: {  	_ =	shalt  }
0x56: {  	_ =	shalt  }
0x57: {  	_ =	shalt  }
0x58: {  	_ =	shalt  }
0x59: {  	_ =	shalt  }
0x5a: {  	_ =	shalt  }
0x5b: {  	_ =	shalt  }
0x5c: {  	_ =	shalt  }
0x5d: {  	_ =	shalt  }
0x5e: {  	_ =	shalt  }
0x5f: {  	_ =	shalt  }
0x60: {  	_ =	shalt  }
0x61: {  	_ =	shalt  }
0x62: {  	_ =	shalt  }
0x63: {  	_ =	shalt  }
0x64: {  	_ =	shalt  }
0x65: {  	_ =	shalt  }
0x66: {  	_ =	shalt  }
0x67: {  	_ =	shalt  }
0x68: {  	_ =	shalt  }
0x69: {  	_ =	shalt  }
0x6a: {  	_ =	shalt  }
0x6b: {  	_ =	shalt  }
0x6c: {  	_ =	shalt  }
0x6d: {  	_ =	shalt  }
0x6e: {  	_ =	shalt  }
0x6f: {  	_ =	shalt  }
0x70: {  	_ =	shalt  }
0x71: {  	_ =	shalt  }
0x72: {  	_ =	shalt  }
0x73: {  	_ =	shalt  }
0x74: {  	_ =	shalt  }
0x75: {  	_ =	shalt  }
0x76: {  	_ =	shalt  }
0x77: {  	_ =	shalt  }
0x78: {  	_ =	shalt  }
0x79: {  	_ =	shalt  }
0x7a: {  	_ =	shalt  }
0x7b: {  	_ =	shalt  }
0x7c: {  	_ =	shalt  }
0x7d: {  	_ =	shalt  }
0x7e: {  	_ =	shalt  }
0x7f: {  	_ =	shalt  }
0x80: {  	_ =	shalt  }
0x81: {  	_ =	shalt  }
0x82: {  	_ =	shalt  }
0x83: {  	_ =	shalt  }
0x84: {  	_ =	shalt  }
0x85: {  	_ =	shalt  }
0x86: {  	_ =	shalt  }
0x87: {  	_ =	shalt  }
.Lfunc_end0:
.L_simem_size_0:
called_computation_lowered:
.L_overlay_start_0:
0x88: {  	s2 =	sld [smem:$0x3FD9]  }
0x89: {  	s3 =	sld [smem:$0x3FFE];
	_ =	sdelay $0x1  }
0x8a: {  	s1 =	srdreg.scid  }
0x8b: {  	s0 =	sand.u32 $0x1, s1  }
0x8c: {  	s17 =	sshll.u32 s0, $0xA;
	s2 =	sadd.s32 s3, s2  }
0x8d: {  	s2 =	sadd.s32 s2, s17  }
0x8e: {  	[smem:$0x3FC0] =	sst s2  }
0x8f: {  	_ = 	snop  }
0x90: {  	s2 =	sld [smem:$0x3FD0];
	(tm) =	ssettm $0x1  }
0x91: {  	s18 =	sld [smem:$0x3FFB];
	_ =	sdelay $0x3  }
0x92: {  	_ =	strace s18  }
0x93: {  	s3 =	sld [smem:$0x3FFC];
	_ =	sdelay $0x3  }
0x94: {  	_ =	strace s3  }
0x95: {  	s3 =	sld [smem:$0x3FFD];
	_ =	sdelay $0x3  }
0x96: {  	_ =	strace s3  }
0x97: {  	_ =	strace $0x8FFFFFFF  }
0x98: {  	s19 =	sld [smem:$0x3FDB];
	_ =	sdelay $0x1  }
0x99: {  	s4 =	simm.s32 $_scs_section_size  }
0x9a: {  	s5 =	simm.s32 $_size__tile_overlayer_lowered;
	s6 =	simm.s32 $_tile_overlayer_lowered  }
0x9b: {  	s22 =	simm.s32 $0x1BFF;
	s21 =	sshll.u32 s6, $0x1;
	s3 =	sadd.s32 s4, s19  }
0x9c: {  	s7 =	simm.s32 $0x0;
	s20 =	sshll.u32 s5, $0x1;
	s5 =	sadd.s32 s21, s3  }
0x9d: {  	[timem:s7], [sflag:s22] =	dma.local [hbm:s5], s20  }
0x9e: {  	_ =	swait.ge [sflag:s22], s20  }
0x9f: {  	s4 =	ssub.s32 $0x0, s20;
	[sflag:s22] =	ssyncset.done $0x0  }
0xa0: {  	[sflag:s22] =	ssyncadd.s32 s4;
	_ =	sdelay $0x1  }
0xa1: {  	s23 =	simm.s32 $0x1B8B  }
0xa2: {  	_ =	swait.ge [sflag:s23], $0x1  }
0xa3: {  	[sflag:s23] =	ssyncset.done $0x0  }
0xa4: {  	s25 =	simm.s32 $0x1B8E;
	s24 =	sld [smem:$0x3FFE];
	[sflag:s23] =	ssyncadd.s32 $0xFFFFFFFF  }
0xa5: {  	s26 =	simm.s32 $execute0_lowered;
	[smem:$0x3FD2] =	sst s25  }
0xa6: {  	s5 =	sshll.u32 s26, $0x1;
	_ =	strace $0x80000046;
	[dreg:$0x1] =	wrdreg $0xFFFFFFFF  }
0xa7: {  	s28 =	simm.s32 $_size_execute0_lowered;
	s3 =	sadd.s32 s3, s5;
	[dreg:$0x0] =	wrdreg $0x0  }
0xa8: {  	s5 =	sshll.u32 s28, $0x1;
	[dreg:$0x2] =	wrdreg s3  }
0xa9: {  	[dreg:$0x3] =	wrdreg s5  }
0xaa: {  	[dreg:$0x4] =	wrdreg $0xC0  }
0xab: {  	_ =	task [dreg:s7], $0x5FFFF  }
0xac: {  	[dreg:$0x1] =	wrdreg $0xFFFFFFFF  }
0xad: {  	[dreg:$0x0] =	wrdreg $0x60  }
0xae: {  	[dreg:$0x2] =	wrdreg s24  }
0xaf: {  	[dreg:$0x3] =	wrdreg s2  }
0xb0: {  	[dreg:$0x4] =	wrdreg $0x2B000  }
0xb1: {  	[dreg:$0x5] =	wrdreg $0x9  }
0xb2: {  	_ =	task.clear_ibuf [dreg:s7], $0x6FFFF;
	_ =	strace $0x90000046  }
0xb3: {  	s29 =	simm.s32 $0x9;
	_ =	strace $0x80000048  }
0xb4: {  	_ =	swait.ge [sflag:s29], $0x1  }
0xb5: {  	[sflag:s29] =	ssyncadd.s32 $0xFFFFFFFF  }
0xb6: {  	_ =	strace $0x90000048  }
0xb7: {  	_ =	sfence  }
0xb8: {  	s30 =	sld [smem:$0x0];
	_ =	sdelay $0x2  }
0xb9: {  	s31 =	sshll.u32 s1, $0xD;
	s1 =	sshrl.u32 s1, $0x2  }
0xba: {  	s3 =	sand.u32 $0x4000, s31;
	s1 =	sadd.s32 s1, s30  }
0xbb: {  	s0 =	sor.u32 s3, s0;
	s1 =	sshll.u32 s1, $0x11  }
0xbc: {  	s0 =	sor.u32 s1, s0  }
0xbd: {  	s0 =	sadd.s32 $0x8F2B, s0  }
0xbe: {  	[sflag:s0] =	ssyncadd.remote.s32 $0x1  }
0xbf: {  	_ =	sfence.sel $0xFFFF  }
0xc0: {  	[dreg:$0x0] =	wrdreg $0xFFFFFFFF;
	(pc) =	sbr.abs _section_cstart, $3  }
0xc1: {  	[dreg:$0x1] =	wrdreg $0xFFFFFFFF  }
0xc2: {  	_ =	task.clear_ibuf [dreg:s7], $0x2FFFF;
	_ =	strace $0x9FFFFFFF  }
0xc3: {  	(tm) =	ssettm $0x7FFFFFFF  }
tec
execute0_lowered:
.L_overlay_start_1:
0x0: {  	(tag) =	ssettag $0x1  }
0x1: {  	s5 =	rddreg [dreg:$0x0]  }
0x2: {  	s1 =	srdreg.scid;
	s8 =	rddreg [dreg:$0x1]  }
0x3: {  	s0 =	stileid.u32;
	s2 =	rddreg [dreg:$0x2]  }
0x4: {  	s3 =	simm.s32 $0x0;
	s12 =	simm.s32 $0x2800;
	s13 =	simm.s32 $0x80  }
0x5: {  	s14 =	simm.s32 $0x0;
	s4 =	sand.u32 $0x1, s1;
	s30 =	sshll.u32 s0, $0x1  }
0x6: {  	s7 =	smul.u32 $0x280, s0;
	[smem:$0x7FF] =	sst s3;
	s1 =	sor.u32 s4, s30  }
0x7: {  	s9 =	smul.u32 $0x2800, s4;
	s31 =	ssub.s32 $0x2, s4;
	s4 =	sadd.s32 $0x16C00, s5  }
0x8: {  	s6 =	smul.u32 $0x500, s1;
	s1 =	rddreg [dreg:$0x3];
	s11 =	sshrl.u32 s31, $0x1  }
0x9: {  	_ =	strace $0x80000047;
	s9 =	sadd.s32 s7, s9;
	s11 =	ssub.s32 s31, s11  }
0xa: {  	s10 =	sadd.s32 s6, s5;
	s5 =	sadd.s32 $0x16A00, s5;
	s9 =	sshrl.u32 s9, $0x3  }
0xb: {  	s6 =	sadd.s32 s7, s2;
	s7 =	sadd.s32 $0xCA00, s10;
	s8 =	sadd.s32 s8, s9  }
0xc: {  	s9 =	smax.u32 s11, $0x1;
	s10 =	simm.s32 $0x2880;
	s11 =	simm.s32 $0x1  }
.LBB2_1:
0xd: {  	[tilespmem:s10], [sflag:$0x1] =	stream.linear.gather [hbm4b:s5+s3], $0x280, $0x38;
	[tilespmem:$0x2D80] =	vst v63  }
0xe: {  	_ =	swait.ge [sflag:s11], $0x280  }
0xf: {  	[sflag:s11] =	ssyncset.done $0x0  }
0x10: {  	[sflag:s11] =	ssyncadd.s32 $0xFFFFFD80  }
0x11: {  	[spmem:s6] =	stream.linear.scatter [tilespmem:s10], [sflag:$0x1], $0x280, $0x38;
	[tilespmem:$0x2D80] =	vst v63  }
0x12: {  	_ =	swait.ge [sflag:s11], $0x280  }
0x13: {  	[sflag:s11] =	ssyncset.done $0x0  }
0x14: {  	[sflag:s11] =	ssyncadd.s32 $0xFFFFFD80  }
0x15: {  	[tilespmem:s12], [sflag:$0x1] =	stream.linear.gather [hbm4b:s4+s3], $0x80, $0x38;
	[tilespmem:$0x2D80] =	vst v63  }
0x16: {  	_ =	swait.ge [sflag:s11], $0x80  }
0x17: {  	[sflag:s11] =	ssyncset.done $0x0  }
0x18: {  	[sflag:s11] =	ssyncadd.s32 $0xFFFFFF80  }
0x19: {  	[tilespmem:s3], [sflag:$0x1] =	stream.linear.gather [hbm4b:s7+s3], $0x2800, $0x38;
	[tilespmem:$0x2D80] =	vst v63  }
0x1a: {  	_ =	swait.ge [sflag:s11], $0x2800  }
0x1b: {  	[sflag:s11] =	ssyncset.done $0x0  }
0x1c: {  	[sflag:s11] =	ssyncadd.s32 $0xFFFFD800  }
0x1d: {  	s15 =	simm.s32 $0x0;
	[bflag:$0x0] =	sbarrier.arrive $0xFFFF  }
0x1e: {  	[spmem:s2] =	stream.indirect.scatter.add.f32 [tilespmem:s12], [sflag:$0x1], $0x1, s15, s13, $0xb8;
	[tilespmem:$0x2D80] =	vst v63  }
0x1f: {  	_ =	swait.ge [sflag:s11], $0x80  }
0x20: {  	s15 =	simm.s32 $0x200;
	[sflag:s11] =	ssyncset.done $0x0  }
.LBB2_2:
0x21: {  	s16 =	sshra.s32 s15, $0x2;
	[sflag:s11] =	ssyncadd.s32 $0xFFFFFF80;
	p0 =	sne.s32 s15, $0x9E00  }
0x22: {  	[spmem:s2] =	stream.indirect.scatter.add.f32 [tilespmem:s12], [sflag:$0x1], $0x1, s16, s13, $0xb8;
	[tilespmem:$0x2D80] =	vst v63  }
.Ltmp0:
0x23: {  	_ = 	snop;
	(pc) =	sbr.rel @p0 .LBB2_2-.Ltmp0, $4  }
0x24: {  	_ = 	snop  }
0x25: {  	s15 =	sadd.s32 $0x200, s15  }
0x26: {  	_ =	swait.ge [sflag:s11], $0x80  }
0x27: {  	[sflag:s11] =	ssyncset.done $0x0  }
0x28: {  	[sflag:s11] =	ssyncadd.s32 $0xFFFFFF80  }
0x29: {  	[bflag:$0x0] =	sbarrier.arrive $0xFFFF  }
0x2a: {  	[tilespmem:s10], [sflag:$0x1] =	stream.linear.gather [spmem:s6], $0x280, $0x38;
	[tilespmem:$0x2D80] =	vst v63  }
0x2b: {  	s14 =	sadd.s32 $0x1, s14;
	_ =	swait.ge [sflag:s11], $0x280  }
0x2c: {  	p0 =	sne.s32 s14, s9;
	[sflag:s11] =	ssyncset.done $0x0  }
.Ltmp1:
0x2d: {  	[sflag:s11] =	ssyncadd.s32 $0xFFFFFD80;
	(pc) =	sbr.rel @p0 .LBB2_1-.Ltmp1, $4  }
0x2e: {  	[hbm4b:s8+s3] =	stream.linear.scatter [tilespmem:s10], [sflag:$0x1], $0x280, $0x38;
	[tilespmem:$0x2D80] =	vst v63  }
0x2f: {  	_ =	swait.ge [sflag:s11], $0x280  }
0x30: {  	[sflag:s11] =	ssyncset.done $0x0  }
0x31: {  	[sflag:s11] =	ssyncadd.s32 $0xFFFFFD80  }
0x32: {  	_ =	sfence.sel $0x180000  }
0x33: {  	[bflag:$0x0] =	sbarrier.arrive $0xFFFF  }
0x34: {  	p0 =	sne.s32 s0, $0x0;
	_ =	strace $0x90000047  }
0x35: {  	s0 =	sadd.s32 @!p0 $0x100000, s1;
	[bflag:$0x2] =	sbarrier.arrive $0xFFFF  }
0x36: {  	[sflag:s0] =	ssyncadd.tile.s32 @!p0 $0x1;
	_ =	shalt  }
.Lfunc_end2:
_tile_overlayer_lowered:
.L_overlay_start_2:
0x37: {  	(tag) =	ssettag $0x2  }
0x38: {  	s0 =	rddreg [dreg:$0x0];
	s2 =	stileid.u32  }
0x39: {  	s1 =	rddreg [dreg:$0x1];
	p0 =	sne.s32 s2, $0x0  }
0x3a: {  	s3 =	rddreg [dreg:$0x2];
	[bflag:$0x3] =	sbarrier.arrive $0xFFFF;
	s2 =	simm.s32 @!p0 $0x1C01  }
0x3b: {  	[timem:s3], [sflag:s2] =	dma.local @!p0 [hbm:s0], s1  }
0x3c: {  	s0 =	simm.s32 @!p0 $0x1  }
0x3d: {  	_ =	swait.ge @!p0 [sflag:s0], s1  }
0x3e: {  	s1 =	ssub.s32 @!p0 $0x0, s1;
	[sflag:s0] =	ssyncset.done @!p0 $0x0  }
0x3f: {  	[sflag:s0] =	ssyncadd.s32 @!p0 s1  }
0x40: {  	[bflag:$0x3] =	sbarrier.arrive $0xFFFF  }
0x41: {  	_ =	shalt  }

</sc_bundles>
